<compile_context>
chip_gen: v7x
topology: tpu7x:2x2x1
jax: 0.10.2.dev20260603
libtpu: 0.0.44.dev20260713+nightly
codegen_flags: <defaults>
</compile_context>

<pallas_src>
import jax
import jax.numpy as jnp
from jax import lax
from jax.experimental import pallas as pl
from jax.experimental.pallas import tpu as pltpu
from jax.experimental.pallas import tpu_sc as plsc

N_NODES = 10000
N_PAIRS = 640000
HIDDEN = 768
DIM_EMB = 64

NW = 32
PAIRS_PER_W = N_PAIRS // NW
CHUNK = 4000
NCHUNK = PAIRS_PER_W // CHUNK
STEPS = CHUNK // 16


def _mlp_body(x_ref, w1_ref, b1_ref, w2_ref, b2_ref, wc4_ref, bias4_ref, o_ref):
    h = jnp.maximum(
        jnp.dot(x_ref[...], w1_ref[...], preferred_element_type=jnp.float32)
        + b1_ref[...], 0.0)
    h = jnp.maximum(
        jnp.dot(h, w2_ref[...], preferred_element_type=jnp.float32)
        + b2_ref[...], 0.0)
    o_ref[...] = (
        jnp.dot(h, wc4_ref[...], preferred_element_type=jnp.float32)
        + bias4_ref[...])


def _node_table(x, w1, b1r, w2, b2r, wc4, bias4):
    blk = 1000
    return pl.pallas_call(
        _mlp_body,
        grid=(N_NODES // blk,),
        in_specs=[
            pl.BlockSpec((blk, HIDDEN), lambda i: (i, 0)),
            pl.BlockSpec((HIDDEN, DIM_EMB), lambda i: (0, 0)),
            pl.BlockSpec((1, DIM_EMB), lambda i: (0, 0)),
            pl.BlockSpec((DIM_EMB, DIM_EMB), lambda i: (0, 0)),
            pl.BlockSpec((1, DIM_EMB), lambda i: (0, 0)),
            pl.BlockSpec((DIM_EMB, 4), lambda i: (0, 0)),
            pl.BlockSpec((1, 4), lambda i: (0, 0)),
        ],
        out_specs=pl.BlockSpec((blk, 4), lambda i: (i, 0)),
        out_shape=jax.ShapeDtypeStruct((N_NODES, 4), jnp.float32),
    )(x, w1, b1r, w2, b2r, wc4, bias4)


def _pair_body(tab_hbm, i0_hbm, i1_hbm, z0_hbm, z1_hbm,
               tab_v, i0_v, i1_v, o0_v, o1_v):
    wid = lax.axis_index("s") * 2 + lax.axis_index("c")
    pltpu.sync_copy(tab_hbm, tab_v)
    for c in range(NCHUNK):
        base = wid * PAIRS_PER_W + c * CHUNK
        pltpu.sync_copy(i0_hbm.at[pl.ds(base, CHUNK)], i0_v)
        pltpu.sync_copy(i1_hbm.at[pl.ds(base, CHUNK)], i1_v)

        def step(j, carry):
            s = pl.ds(j * 16, 16)
            a0 = i0_v[s] * 4
            a1 = i1_v[s] * 4
            z0 = plsc.load_gather(tab_v, [a0]) + plsc.load_gather(tab_v, [a1 + 2])
            z1 = plsc.load_gather(tab_v, [a0 + 1]) + plsc.load_gather(tab_v, [a1 + 3])
            o0_v[s] = z0
            o1_v[s] = z1
            return carry

        lax.fori_loop(0, STEPS, step, 0)
        pltpu.sync_copy(o0_v, z0_hbm.at[pl.ds(base, CHUNK)])
        pltpu.sync_copy(o1_v, z1_hbm.at[pl.ds(base, CHUNK)])


def _pair_logits(tab_flat, i0, i1):
    mesh = plsc.VectorSubcoreMesh(core_axis_name="c", subcore_axis_name="s")
    return pl.kernel(
        _pair_body,
        mesh=mesh,
        out_type=(
            jax.ShapeDtypeStruct((N_PAIRS,), jnp.float32),
            jax.ShapeDtypeStruct((N_PAIRS,), jnp.float32),
        ),
        scratch_types=[
            pltpu.VMEM((4 * N_NODES,), jnp.float32),
            pltpu.VMEM((CHUNK,), jnp.int32),
            pltpu.VMEM((CHUNK,), jnp.int32),
            pltpu.VMEM((CHUNK,), jnp.float32),
            pltpu.VMEM((CHUNK,), jnp.float32),
        ],
        compiler_params=pltpu.CompilerParams(needs_layout_passes=False),
    )(tab_flat, i0, i1)


def _loss_body(z0_ref, z1_ref, lab_ref, o_ref, acc_ref):
    i = pl.program_id(0)
    z0 = z0_ref[...]
    z1 = z1_ref[...]
    m = jnp.maximum(z0, z1)
    lse = m + jnp.log(jnp.exp(z0 - m) + jnp.exp(z1 - m))
    zt = jnp.where(lab_ref[...] == 0, z0, z1)
    part = jnp.sum(lse - zt)

    @pl.when(i == 0)
    def _init():
        acc_ref[0] = 0.0

    acc_ref[0] += part

    @pl.when(i == pl.num_programs(0) - 1)
    def _fin():
        o_ref[...] = jnp.broadcast_to(acc_ref[0] / float(N_PAIRS), (1, 1))


def _loss(z02d, z12d, lab2d):
    rows = z02d.shape[0]
    blk = 1000
    return pl.pallas_call(
        _loss_body,
        grid=(rows // blk,),
        in_specs=[
            pl.BlockSpec((blk, 128), lambda i: (i, 0)),
            pl.BlockSpec((blk, 128), lambda i: (i, 0)),
            pl.BlockSpec((blk, 128), lambda i: (i, 0)),
        ],
        out_specs=pl.BlockSpec((1, 1), lambda i: (0, 0)),
        out_shape=jax.ShapeDtypeStruct((1, 1), jnp.float32),
        scratch_shapes=[pltpu.SMEM((1,), jnp.float32)],
    )(z02d, z12d, lab2d)


def kernel(idx, adjacency_matrix, node_embeddings, label, W1, b1, W2, b2, Wc, bc):
    del adjacency_matrix
    wc4 = jnp.concatenate([Wc[:DIM_EMB], Wc[DIM_EMB:]], axis=1)
    bias4 = jnp.concatenate([bc, jnp.zeros((2,), jnp.float32)])[None, :]
    table = _node_table(node_embeddings, W1, b1[None, :], W2, b2[None, :],
                        wc4, bias4)
    idx = idx.astype(jnp.int32)
    z0, z1 = _pair_logits(table.reshape(-1), idx[:, 0], idx[:, 1])
    rows = N_PAIRS // 128
    loss2d = _loss(z0.reshape(rows, 128), z1.reshape(rows, 128),
                   label.astype(jnp.int32).reshape(rows, 128))
    logits = jnp.stack([z0, z1], axis=1)
    return (loss2d.reshape(()), logits)

# --- scband reference (transcript-rebuilt; emitter-appended) ---
"""Pipeline reference for scband-graph-conv-classification-31284541784245 (READ-ONLY COPY).

The authoritative reference and input builder live on the scoring server;
editing this copy changes nothing except your own understanding.
"""

import jax, jax.numpy as jnp
import numpy as np

N_NODES = 10000
N_PAIRS = 640000
HIDDEN = 768
DIM_EMB = 64
NUM_LABELS = 2


def setup_inputs(seed: int = 0) -> dict:
    key = jax.random.key(seed)
    ks = jax.random.split(key, 10)
    idx = jax.random.randint(ks[0], (N_PAIRS, 2), 0, N_NODES, dtype=jnp.int64 if jax.config.jax_enable_x64 else jnp.int32).astype(jnp.int32)
    adjacency_matrix = jnp.zeros((N_NODES, N_NODES), dtype=jnp.bool_)
    node_embeddings = jax.random.normal(ks[1], (N_PAIRS // N_PAIRS * N_NODES, HIDDEN), dtype=jnp.float32)
    label = jax.random.randint(ks[2], (N_PAIRS,), 0, NUM_LABELS).astype(jnp.int32)
    # learned params (torch Linear uses W[out,in]; here stored [in,out] and applied x @ W)
    W1 = jax.random.normal(ks[3], (HIDDEN, DIM_EMB), dtype=jnp.float32) * (1.0 / np.sqrt(HIDDEN))
    b1 = jnp.zeros((DIM_EMB,), dtype=jnp.float32)
    W2 = jax.random.normal(ks[4], (DIM_EMB, DIM_EMB), dtype=jnp.float32) * (1.0 / np.sqrt(DIM_EMB))
    b2 = jnp.zeros((DIM_EMB,), dtype=jnp.float32)
    Wc = jax.random.normal(ks[5], (2 * DIM_EMB, NUM_LABELS), dtype=jnp.float32) * (1.0 / np.sqrt(2 * DIM_EMB))
    bc = jnp.zeros((NUM_LABELS,), dtype=jnp.float32)
    return {"idx": idx, "adjacency_matrix": adjacency_matrix, "node_embeddings": node_embeddings,
            "label": label, "W1": W1, "b1": b1, "W2": W2, "b2": b2, "Wc": Wc, "bc": bc}


def reference(idx, adjacency_matrix, node_embeddings, label, W1, b1, W2, b2, Wc, bc):
    # NOTE: original forward builds edge_index = coo(adjacency_matrix) but NEVER uses it
    # (self.Graphmodel is never called). Faithful translation therefore ignores it.
    h = jax.nn.relu(node_embeddings @ W1 + b1)
    h = jax.nn.relu(h @ W2 + b2)
    # gather the two endpoints of each pair and concat features
    left = jnp.take(h, idx[:, 0], axis=0)
    right = jnp.take(h, idx[:, 1], axis=0)
    pair_feat = jnp.concatenate([left, right], axis=1)
    # dropout is identity in eval/inference
    logits = pair_feat @ Wc + bc
    # CrossEntropyLoss (mean reduction)
    logp = jax.nn.log_softmax(logits, axis=-1)
    nll = -jnp.take_along_axis(logp, label[:, None].astype(jnp.int32), axis=1)[:, 0]
    loss = jnp.mean(nll)
    return (loss, logits)

if __name__ == "__main__":
    import jax
    _d = setup_inputs()
    print(jax.jit(kernel)(*tuple(_d.values())))

</pallas_src>

<mosaic_0001>
#map = affine_map<(d0, d1) -> (0)>
module attributes {stable_mosaic.version = 14 : i64} {
  func.func @_pair_body(%arg0: i32, %arg1: i32, %arg2: memref<40000xf32, #tpu.memory_space<hbm>>, %arg3: memref<640000xi32, #tpu.memory_space<hbm>>, %arg4: memref<640000xi32, #tpu.memory_space<hbm>>, %arg5: memref<640000xf32, #tpu.memory_space<hbm>>, %arg6: memref<640000xf32, #tpu.memory_space<hbm>>, %arg7: memref<40000xf32, #tpu.memory_space<vmem>>, %arg8: memref<4000xi32, #tpu.memory_space<vmem>>, %arg9: memref<4000xi32, #tpu.memory_space<vmem>>, %arg10: memref<4000xf32, #tpu.memory_space<vmem>>, %arg11: memref<4000xf32, #tpu.memory_space<vmem>>) attributes {dimension_semantics = [#tpu.dimension_semantics<core_parallel>, #tpu.dimension_semantics<subcore_parallel>], iteration_bounds = array<i64: 2, 16>, scalar_prefetch = 0 : i64, scratch_operands = 5 : i64, tpu.core_type = #tpu.core_type<sc_vector_subcore>, window_params = [{transform_indices = #map}, {transform_indices = #map}, {transform_indices = #map}, {transform_indices = #map}, {transform_indices = #map}]} {
    %mul3A = arith.constant 2 : i32
    %mul3A_0 = arith.muli %arg1, %mul3A : i32
    %add3A = arith.addi %mul3A_0, %arg0 : i32
    "tpu.region"() ({
      %run_scoped3A = tpu.sem_alloc : memref<!tpu.dma_semaphore, #tpu.memory_space<semaphore_mem>>
      tpu.enqueue_dma source(%arg2 : memref<40000xf32, #tpu.memory_space<hbm>>) target(%arg7 : memref<40000xf32, #tpu.memory_space<vmem>>) target_semaphore(%run_scoped3A : memref<!tpu.dma_semaphore, #tpu.memory_space<semaphore_mem>>)
      tpu.wait_dma2 semaphore(%run_scoped3A : memref<!tpu.dma_semaphore, #tpu.memory_space<semaphore_mem>>) src(%arg2 : memref<40000xf32, #tpu.memory_space<hbm>>) dst(%arg7 : memref<40000xf32, #tpu.memory_space<vmem>>)
      tpu.yield
    }) : () -> ()
    %mul3A_1 = arith.constant 20000 : i32
    %mul3A_2 = arith.muli %add3A, %mul3A_1 : i32
    %add3A_3 = arith.constant 0 : i32
    %add3A_4 = arith.addi %mul3A_2, %add3A_3 : i32
    "tpu.region"() ({
      %run_scoped3A = tpu.sem_alloc : memref<!tpu.dma_semaphore, #tpu.memory_space<semaphore_mem>>
      %dma_start3A = tpu.memref_slice %arg3[%add3A_4] : memref<640000xi32, #tpu.memory_space<hbm>> -> memref<4000xi32, #tpu.memory_space<hbm>>
      %dma_start3A_50 = tpu.memref_slice %arg3[%add3A_4] : memref<640000xi32, #tpu.memory_space<hbm>> -> memref<4000xi32, #tpu.memory_space<hbm>>
      tpu.enqueue_dma source(%dma_start3A_50 : memref<4000xi32, #tpu.memory_space<hbm>>) target(%arg8 : memref<4000xi32, #tpu.memory_space<vmem>>) target_semaphore(%run_scoped3A : memref<!tpu.dma_semaphore, #tpu.memory_space<semaphore_mem>>)
      %dma_wait3A = tpu.memref_slice %arg3[%add3A_4] : memref<640000xi32, #tpu.memory_space<hbm>> -> memref<4000xi32, #tpu.memory_space<hbm>>
      %dma_wait3A_51 = tpu.memref_slice %arg3[%add3A_4] : memref<640000xi32, #tpu.memory_space<hbm>> -> memref<4000xi32, #tpu.memory_space<hbm>>
      tpu.wait_dma2 semaphore(%run_scoped3A : memref<!tpu.dma_semaphore, #tpu.memory_space<semaphore_mem>>) src(%dma_wait3A_51 : memref<4000xi32, #tpu.memory_space<hbm>>) dst(%arg8 : memref<4000xi32, #tpu.memory_space<vmem>>)
      tpu.yield
    }) : () -> ()
    "tpu.region"() ({
      %run_scoped3A = tpu.sem_alloc : memref<!tpu.dma_semaphore, #tpu.memory_space<semaphore_mem>>
      %dma_start3A = tpu.memref_slice %arg4[%add3A_4] : memref<640000xi32, #tpu.memory_space<hbm>> -> memref<4000xi32, #tpu.memory_space<hbm>>
      %dma_start3A_50 = tpu.memref_slice %arg4[%add3A_4] : memref<640000xi32, #tpu.memory_space<hbm>> -> memref<4000xi32, #tpu.memory_space<hbm>>
      tpu.enqueue_dma source(%dma_start3A_50 : memref<4000xi32, #tpu.memory_space<hbm>>) target(%arg9 : memref<4000xi32, #tpu.memory_space<vmem>>) target_semaphore(%run_scoped3A : memref<!tpu.dma_semaphore, #tpu.memory_space<semaphore_mem>>)
      %dma_wait3A = tpu.memref_slice %arg4[%add3A_4] : memref<640000xi32, #tpu.memory_space<hbm>> -> memref<4000xi32, #tpu.memory_space<hbm>>
      %dma_wait3A_51 = tpu.memref_slice %arg4[%add3A_4] : memref<640000xi32, #tpu.memory_space<hbm>> -> memref<4000xi32, #tpu.memory_space<hbm>>
      tpu.wait_dma2 semaphore(%run_scoped3A : memref<!tpu.dma_semaphore, #tpu.memory_space<semaphore_mem>>) src(%dma_wait3A_51 : memref<4000xi32, #tpu.memory_space<hbm>>) dst(%arg9 : memref<4000xi32, #tpu.memory_space<vmem>>)
      tpu.yield
    }) : () -> ()
    %scan3A = arith.constant 0 : i32
    %scan3A_5 = arith.constant 0 : i32
    %scan3A_6 = arith.constant 250 : i32
    %scan3A_7 = arith.addi %scan3A_5, %scan3A_6 : i32
    %scan3A_8 = arith.constant 1 : i32
    scf.for %scan3A_50 = %scan3A_5 to %scan3A_7 step %scan3A_8  : i32 {
      %mul3A_51 = arith.constant 16 : i32
      %mul3A_52 = arith.muli %scan3A_50, %mul3A_51 : i32
      %get3A = arith.index_cast %mul3A_52 : i32 to index
      %get3A_53 = tpu.vector_load %arg8[%get3A] {strides = array<i32>} : memref<4000xi32, #tpu.memory_space<vmem>>, vector<16xi32>,
      %mul3A_54 = arith.constant 4 : i32
      %mul3A_55 = vector.broadcast %mul3A_54 : i32 to vector<16xi32>
      %mul3A_56 = arith.muli %get3A_53, %mul3A_55 : vector<16xi32>
      %get3A_57 = arith.index_cast %mul3A_52 : i32 to index
      %get3A_58 = tpu.vector_load %arg9[%get3A_57] {strides = array<i32>} : memref<4000xi32, #tpu.memory_space<vmem>>, vector<16xi32>,
      %mul3A_59 = arith.constant 4 : i32
      %mul3A_60 = vector.broadcast %mul3A_59 : i32 to vector<16xi32>
      %mul3A_61 = arith.muli %get3A_58, %mul3A_60 : vector<16xi32>
      %gather3A = tpu.vector_load_idx %arg7[%mul3A_56] : memref<40000xf32, #tpu.memory_space<vmem>>[vector<16xi32>], vector<16xf32>,
      %add3A_62 = arith.constant 2 : i32
      %add3A_63 = vector.broadcast %add3A_62 : i32 to vector<16xi32>
      %add3A_64 = arith.addi %mul3A_61, %add3A_63 : vector<16xi32>
      %gather3A_65 = tpu.vector_load_idx %arg7[%add3A_64] : memref<40000xf32, #tpu.memory_space<vmem>>[vector<16xi32>], vector<16xf32>,
      %add3A_66 = arith.addf %gather3A, %gather3A_65 : vector<16xf32>
      %add3A_67 = arith.constant 1 : i32
      %add3A_68 = vector.broadcast %add3A_67 : i32 to vector<16xi32>
      %add3A_69 = arith.addi %mul3A_56, %add3A_68 : vector<16xi32>
      %gather3A_70 = tpu.vector_load_idx %arg7[%add3A_69] : memref<40000xf32, #tpu.memory_space<vmem>>[vector<16xi32>], vector<16xf32>,
      %add3A_71 = arith.constant 3 : i32
      %add3A_72 = vector.broadcast %add3A_71 : i32 to vector<16xi32>
      %add3A_73 = arith.addi %mul3A_61, %add3A_72 : vector<16xi32>
      %gather3A_74 = tpu.vector_load_idx %arg7[%add3A_73] : memref<40000xf32, #tpu.memory_space<vmem>>[vector<16xi32>], vector<16xf32>,
      %add3A_75 = arith.addf %gather3A_70, %gather3A_74 : vector<16xf32>
      %swap3A = arith.index_cast %mul3A_52 : i32 to index
      %swap3A_76 = tpu.vector_load %arg10[%swap3A] {strides = array<i32>} : memref<4000xf32, #tpu.memory_space<vmem>>, vector<16xf32>,
      tpu.vector_store %arg10[%swap3A], %add3A_66 {strides = array<i32>} : memref<4000xf32, #tpu.memory_space<vmem>>, vector<16xf32>,
      %swap3A_77 = arith.index_cast %mul3A_52 : i32 to index
      %swap3A_78 = tpu.vector_load %arg11[%swap3A_77] {strides = array<i32>} : memref<4000xf32, #tpu.memory_space<vmem>>, vector<16xf32>,
      tpu.vector_store %arg11[%swap3A_77], %add3A_75 {strides = array<i32>} : memref<4000xf32, #tpu.memory_space<vmem>>, vector<16xf32>,
    }
    %scan3A_9 = arith.constant 250 : i32
    "tpu.region"() ({
      %run_scoped3A = tpu.sem_alloc : memref<!tpu.dma_semaphore, #tpu.memory_space<semaphore_mem>>
      %dma_start3A = tpu.memref_slice %arg5[%add3A_4] : memref<640000xf32, #tpu.memory_space<hbm>> -> memref<4000xf32, #tpu.memory_space<hbm>>
      %dma_start3A_50 = tpu.memref_slice %arg5[%add3A_4] : memref<640000xf32, #tpu.memory_space<hbm>> -> memref<4000xf32, #tpu.memory_space<hbm>>
      tpu.enqueue_dma source(%arg10 : memref<4000xf32, #tpu.memory_space<vmem>>) target(%dma_start3A_50 : memref<4000xf32, #tpu.memory_space<hbm>>) target_semaphore(%run_scoped3A : memref<!tpu.dma_semaphore, #tpu.memory_space<semaphore_mem>>)
      %dma_wait3A = tpu.memref_slice %arg5[%add3A_4] : memref<640000xf32, #tpu.memory_space<hbm>> -> memref<4000xf32, #tpu.memory_space<hbm>>
      %dma_wait3A_51 = tpu.memref_slice %arg5[%add3A_4] : memref<640000xf32, #tpu.memory_space<hbm>> -> memref<4000xf32, #tpu.memory_space<hbm>>
      tpu.wait_dma2 semaphore(%run_scoped3A : memref<!tpu.dma_semaphore, #tpu.memory_space<semaphore_mem>>) src(%arg10 : memref<4000xf32, #tpu.memory_space<vmem>>) dst(%dma_wait3A_51 : memref<4000xf32, #tpu.memory_space<hbm>>)
      tpu.yield
    }) : () -> ()
    "tpu.region"() ({
      %run_scoped3A = tpu.sem_alloc : memref<!tpu.dma_semaphore, #tpu.memory_space<semaphore_mem>>
      %dma_start3A = tpu.memref_slice %arg6[%add3A_4] : memref<640000xf32, #tpu.memory_space<hbm>> -> memref<4000xf32, #tpu.memory_space<hbm>>
      %dma_start3A_50 = tpu.memref_slice %arg6[%add3A_4] : memref<640000xf32, #tpu.memory_space<hbm>> -> memref<4000xf32, #tpu.memory_space<hbm>>
      tpu.enqueue_dma source(%arg11 : memref<4000xf32, #tpu.memory_space<vmem>>) target(%dma_start3A_50 : memref<4000xf32, #tpu.memory_space<hbm>>) target_semaphore(%run_scoped3A : memref<!tpu.dma_semaphore, #tpu.memory_space<semaphore_mem>>)
      %dma_wait3A = tpu.memref_slice %arg6[%add3A_4] : memref<640000xf32, #tpu.memory_space<hbm>> -> memref<4000xf32, #tpu.memory_space<hbm>>
      %dma_wait3A_51 = tpu.memref_slice %arg6[%add3A_4] : memref<640000xf32, #tpu.memory_space<hbm>> -> memref<4000xf32, #tpu.memory_space<hbm>>
      tpu.wait_dma2 semaphore(%run_scoped3A : memref<!tpu.dma_semaphore, #tpu.memory_space<semaphore_mem>>) src(%arg11 : memref<4000xf32, #tpu.memory_space<vmem>>) dst(%dma_wait3A_51 : memref<4000xf32, #tpu.memory_space<hbm>>)
      tpu.yield
    }) : () -> ()
    %mul3A_10 = arith.constant 20000 : i32
    %mul3A_11 = arith.muli %add3A, %mul3A_10 : i32
    %add3A_12 = arith.constant 4000 : i32
    %add3A_13 = arith.addi %mul3A_11, %add3A_12 : i32
    "tpu.region"() ({
      %run_scoped3A = tpu.sem_alloc : memref<!tpu.dma_semaphore, #tpu.memory_space<semaphore_mem>>
      %dma_start3A = tpu.memref_slice %arg3[%add3A_13] : memref<640000xi32, #tpu.memory_space<hbm>> -> memref<4000xi32, #tpu.memory_space<hbm>>
      %dma_start3A_50 = tpu.memref_slice %arg3[%add3A_13] : memref<640000xi32, #tpu.memory_space<hbm>> -> memref<4000xi32, #tpu.memory_space<hbm>>
      tpu.enqueue_dma source(%dma_start3A_50 : memref<4000xi32, #tpu.memory_space<hbm>>) target(%arg8 : memref<4000xi32, #tpu.memory_space<vmem>>) target_semaphore(%run_scoped3A : memref<!tpu.dma_semaphore, #tpu.memory_space<semaphore_mem>>)
      %dma_wait3A = tpu.memref_slice %arg3[%add3A_13] : memref<640000xi32, #tpu.memory_space<hbm>> -> memref<4000xi32, #tpu.memory_space<hbm>>
      %dma_wait3A_51 = tpu.memref_slice %arg3[%add3A_13] : memref<640000xi32, #tpu.memory_space<hbm>> -> memref<4000xi32, #tpu.memory_space<hbm>>
      tpu.wait_dma2 semaphore(%run_scoped3A : memref<!tpu.dma_semaphore, #tpu.memory_space<semaphore_mem>>) src(%dma_wait3A_51 : memref<4000xi32, #tpu.memory_space<hbm>>) dst(%arg8 : memref<4000xi32, #tpu.memory_space<vmem>>)
      tpu.yield
    }) : () -> ()
    "tpu.region"() ({
      %run_scoped3A = tpu.sem_alloc : memref<!tpu.dma_semaphore, #tpu.memory_space<semaphore_mem>>
      %dma_start3A = tpu.memref_slice %arg4[%add3A_13] : memref<640000xi32, #tpu.memory_space<hbm>> -> memref<4000xi32, #tpu.memory_space<hbm>>
      %dma_start3A_50 = tpu.memref_slice %arg4[%add3A_13] : memref<640000xi32, #tpu.memory_space<hbm>> -> memref<4000xi32, #tpu.memory_space<hbm>>
      tpu.enqueue_dma source(%dma_start3A_50 : memref<4000xi32, #tpu.memory_space<hbm>>) target(%arg9 : memref<4000xi32, #tpu.memory_space<vmem>>) target_semaphore(%run_scoped3A : memref<!tpu.dma_semaphore, #tpu.memory_space<semaphore_mem>>)
      %dma_wait3A = tpu.memref_slice %arg4[%add3A_13] : memref<640000xi32, #tpu.memory_space<hbm>> -> memref<4000xi32, #tpu.memory_space<hbm>>
      %dma_wait3A_51 = tpu.memref_slice %arg4[%add3A_13] : memref<640000xi32, #tpu.memory_space<hbm>> -> memref<4000xi32, #tpu.memory_space<hbm>>
      tpu.wait_dma2 semaphore(%run_scoped3A : memref<!tpu.dma_semaphore, #tpu.memory_space<semaphore_mem>>) src(%dma_wait3A_51 : memref<4000xi32, #tpu.memory_space<hbm>>) dst(%arg9 : memref<4000xi32, #tpu.memory_space<vmem>>)
      tpu.yield
    }) : () -> ()
    %scan3A_14 = arith.constant 0 : i32
    %scan3A_15 = arith.constant 0 : i32
    %scan3A_16 = arith.constant 250 : i32
    %scan3A_17 = arith.addi %scan3A_15, %scan3A_16 : i32
    %scan3A_18 = arith.constant 1 : i32
    scf.for %scan3A_50 = %scan3A_15 to %scan3A_17 step %scan3A_18  : i32 {
      %mul3A_51 = arith.constant 16 : i32
      %mul3A_52 = arith.muli %scan3A_50, %mul3A_51 : i32
      %get3A = arith.index_cast %mul3A_52 : i32 to index
      %get3A_53 = tpu.vector_load %arg8[%get3A] {strides = array<i32>} : memref<4000xi32, #tpu.memory_space<vmem>>, vector<16xi32>,
      %mul3A_54 = arith.constant 4 : i32
      %mul3A_55 = vector.broadcast %mul3A_54 : i32 to vector<16xi32>
      %mul3A_56 = arith.muli %get3A_53, %mul3A_55 : vector<16xi32>
      %get3A_57 = arith.index_cast %mul3A_52 : i32 to index
      %get3A_58 = tpu.vector_load %arg9[%get3A_57] {strides = array<i32>} : memref<4000xi32, #tpu.memory_space<vmem>>, vector<16xi32>,
      %mul3A_59 = arith.constant 4 : i32
      %mul3A_60 = vector.broadcast %mul3A_59 : i32 to vector<16xi32>
      %mul3A_61 = arith.muli %get3A_58, %mul3A_60 : vector<16xi32>
      %gather3A = tpu.vector_load_idx %arg7[%mul3A_56] : memref<40000xf32, #tpu.memory_space<vmem>>[vector<16xi32>], vector<16xf32>,
      %add3A_62 = arith.constant 2 : i32
      %add3A_63 = vector.broadcast %add3A_62 : i32 to vector<16xi32>
      %add3A_64 = arith.addi %mul3A_61, %add3A_63 : vector<16xi32>
      %gather3A_65 = tpu.vector_load_idx %arg7[%add3A_64] : memref<40000xf32, #tpu.memory_space<vmem>>[vector<16xi32>], vector<16xf32>,
      %add3A_66 = arith.addf %gather3A, %gather3A_65 : vector<16xf32>
      %add3A_67 = arith.constant 1 : i32
      %add3A_68 = vector.broadcast %add3A_67 : i32 to vector<16xi32>
      %add3A_69 = arith.addi %mul3A_56, %add3A_68 : vector<16xi32>
      %gather3A_70 = tpu.vector_load_idx %arg7[%add3A_69] : memref<40000xf32, #tpu.memory_space<vmem>>[vector<16xi32>], vector<16xf32>,
      %add3A_71 = arith.constant 3 : i32
      %add3A_72 = vector.broadcast %add3A_71 : i32 to vector<16xi32>
      %add3A_73 = arith.addi %mul3A_61, %add3A_72 : vector<16xi32>
      %gather3A_74 = tpu.vector_load_idx %arg7[%add3A_73] : memref<40000xf32, #tpu.memory_space<vmem>>[vector<16xi32>], vector<16xf32>,
      %add3A_75 = arith.addf %gather3A_70, %gather3A_74 : vector<16xf32>
      %swap3A = arith.index_cast %mul3A_52 : i32 to index
      %swap3A_76 = tpu.vector_load %arg10[%swap3A] {strides = array<i32>} : memref<4000xf32, #tpu.memory_space<vmem>>, vector<16xf32>,
      tpu.vector_store %arg10[%swap3A], %add3A_66 {strides = array<i32>} : memref<4000xf32, #tpu.memory_space<vmem>>, vector<16xf32>,
      %swap3A_77 = arith.index_cast %mul3A_52 : i32 to index
      %swap3A_78 = tpu.vector_load %arg11[%swap3A_77] {strides = array<i32>} : memref<4000xf32, #tpu.memory_space<vmem>>, vector<16xf32>,
      tpu.vector_store %arg11[%swap3A_77], %add3A_75 {strides = array<i32>} : memref<4000xf32, #tpu.memory_space<vmem>>, vector<16xf32>,
    }
    %scan3A_19 = arith.constant 250 : i32
    "tpu.region"() ({
      %run_scoped3A = tpu.sem_alloc : memref<!tpu.dma_semaphore, #tpu.memory_space<semaphore_mem>>
      %dma_start3A = tpu.memref_slice %arg5[%add3A_13] : memref<640000xf32, #tpu.memory_space<hbm>> -> memref<4000xf32, #tpu.memory_space<hbm>>
      %dma_start3A_50 = tpu.memref_slice %arg5[%add3A_13] : memref<640000xf32, #tpu.memory_space<hbm>> -> memref<4000xf32, #tpu.memory_space<hbm>>
      tpu.enqueue_dma source(%arg10 : memref<4000xf32, #tpu.memory_space<vmem>>) target(%dma_start3A_50 : memref<4000xf32, #tpu.memory_space<hbm>>) target_semaphore(%run_scoped3A : memref<!tpu.dma_semaphore, #tpu.memory_space<semaphore_mem>>)
      %dma_wait3A = tpu.memref_slice %arg5[%add3A_13] : memref<640000xf32, #tpu.memory_space<hbm>> -> memref<4000xf32, #tpu.memory_space<hbm>>
      %dma_wait3A_51 = tpu.memref_slice %arg5[%add3A_13] : memref<640000xf32, #tpu.memory_space<hbm>> -> memref<4000xf32, #tpu.memory_space<hbm>>
      tpu.wait_dma2 semaphore(%run_scoped3A : memref<!tpu.dma_semaphore, #tpu.memory_space<semaphore_mem>>) src(%arg10 : memref<4000xf32, #tpu.memory_space<vmem>>) dst(%dma_wait3A_51 : memref<4000xf32, #tpu.memory_space<hbm>>)
      tpu.yield
    }) : () -> ()
    "tpu.region"() ({
      %run_scoped3A = tpu.sem_alloc : memref<!tpu.dma_semaphore, #tpu.memory_space<semaphore_mem>>
      %dma_start3A = tpu.memref_slice %arg6[%add3A_13] : memref<640000xf32, #tpu.memory_space<hbm>> -> memref<4000xf32, #tpu.memory_space<hbm>>
      %dma_start3A_50 = tpu.memref_slice %arg6[%add3A_13] : memref<640000xf32, #tpu.memory_space<hbm>> -> memref<4000xf32, #tpu.memory_space<hbm>>
      tpu.enqueue_dma source(%arg11 : memref<4000xf32, #tpu.memory_space<vmem>>) target(%dma_start3A_50 : memref<4000xf32, #tpu.memory_space<hbm>>) target_semaphore(%run_scoped3A : memref<!tpu.dma_semaphore, #tpu.memory_space<semaphore_mem>>)
      %dma_wait3A = tpu.memref_slice %arg6[%add3A_13] : memref<640000xf32, #tpu.memory_space<hbm>> -> memref<4000xf32, #tpu.memory_space<hbm>>
      %dma_wait3A_51 = tpu.memref_slice %arg6[%add3A_13] : memref<640000xf32, #tpu.memory_space<hbm>> -> memref<4000xf32, #tpu.memory_space<hbm>>
      tpu.wait_dma2 semaphore(%run_scoped3A : memref<!tpu.dma_semaphore, #tpu.memory_space<semaphore_mem>>) src(%arg11 : memref<4000xf32, #tpu.memory_space<vmem>>) dst(%dma_wait3A_51 : memref<4000xf32, #tpu.memory_space<hbm>>)
      tpu.yield
    }) : () -> ()
    %mul3A_20 = arith.constant 20000 : i32
    %mul3A_21 = arith.muli %add3A, %mul3A_20 : i32
    %add3A_22 = arith.constant 8000 : i32
    %add3A_23 = arith.addi %mul3A_21, %add3A_22 : i32
    "tpu.region"() ({
      %run_scoped3A = tpu.sem_alloc : memref<!tpu.dma_semaphore, #tpu.memory_space<semaphore_mem>>
      %dma_start3A = tpu.memref_slice %arg3[%add3A_23] : memref<640000xi32, #tpu.memory_space<hbm>> -> memref<4000xi32, #tpu.memory_space<hbm>>
      %dma_start3A_50 = tpu.memref_slice %arg3[%add3A_23] : memref<640000xi32, #tpu.memory_space<hbm>> -> memref<4000xi32, #tpu.memory_space<hbm>>
      tpu.enqueue_dma source(%dma_start3A_50 : memref<4000xi32, #tpu.memory_space<hbm>>) target(%arg8 : memref<4000xi32, #tpu.memory_space<vmem>>) target_semaphore(%run_scoped3A : memref<!tpu.dma_semaphore, #tpu.memory_space<semaphore_mem>>)
      %dma_wait3A = tpu.memref_slice %arg3[%add3A_23] : memref<640000xi32, #tpu.memory_space<hbm>> -> memref<4000xi32, #tpu.memory_space<hbm>>
      %dma_wait3A_51 = tpu.memref_slice %arg3[%add3A_23] : memref<640000xi32, #tpu.memory_space<hbm>> -> memref<4000xi32, #tpu.memory_space<hbm>>
      tpu.wait_dma2 semaphore(%run_scoped3A : memref<!tpu.dma_semaphore, #tpu.memory_space<semaphore_mem>>) src(%dma_wait3A_51 : memref<4000xi32, #tpu.memory_space<hbm>>) dst(%arg8 : memref<4000xi32, #tpu.memory_space<vmem>>)
      tpu.yield
    }) : () -> ()
    "tpu.region"() ({
      %run_scoped3A = tpu.sem_alloc : memref<!tpu.dma_semaphore, #tpu.memory_space<semaphore_mem>>
      %dma_start3A = tpu.memref_slice %arg4[%add3A_23] : memref<640000xi32, #tpu.memory_space<hbm>> -> memref<4000xi32, #tpu.memory_space<hbm>>
      %dma_start3A_50 = tpu.memref_slice %arg4[%add3A_23] : memref<640000xi32, #tpu.memory_space<hbm>> -> memref<4000xi32, #tpu.memory_space<hbm>>
      tpu.enqueue_dma source(%dma_start3A_50 : memref<4000xi32, #tpu.memory_space<hbm>>) target(%arg9 : memref<4000xi32, #tpu.memory_space<vmem>>) target_semaphore(%run_scoped3A : memref<!tpu.dma_semaphore, #tpu.memory_space<semaphore_mem>>)
      %dma_wait3A = tpu.memref_slice %arg4[%add3A_23] : memref<640000xi32, #tpu.memory_space<hbm>> -> memref<4000xi32, #tpu.memory_space<hbm>>
      %dma_wait3A_51 = tpu.memref_slice %arg4[%add3A_23] : memref<640000xi32, #tpu.memory_space<hbm>> -> memref<4000xi32, #tpu.memory_space<hbm>>
      tpu.wait_dma2 semaphore(%run_scoped3A : memref<!tpu.dma_semaphore, #tpu.memory_space<semaphore_mem>>) src(%dma_wait3A_51 : memref<4000xi32, #tpu.memory_space<hbm>>) dst(%arg9 : memref<4000xi32, #tpu.memory_space<vmem>>)
      tpu.yield
    }) : () -> ()
    %scan3A_24 = arith.constant 0 : i32
    %scan3A_25 = arith.constant 0 : i32
    %scan3A_26 = arith.constant 250 : i32
    %scan3A_27 = arith.addi %scan3A_25, %scan3A_26 : i32
    %scan3A_28 = arith.constant 1 : i32
    scf.for %scan3A_50 = %scan3A_25 to %scan3A_27 step %scan3A_28  : i32 {
      %mul3A_51 = arith.constant 16 : i32
      %mul3A_52 = arith.muli %scan3A_50, %mul3A_51 : i32
      %get3A = arith.index_cast %mul3A_52 : i32 to index
      %get3A_53 = tpu.vector_load %arg8[%get3A] {strides = array<i32>} : memref<4000xi32, #tpu.memory_space<vmem>>, vector<16xi32>,
      %mul3A_54 = arith.constant 4 : i32
      %mul3A_55 = vector.broadcast %mul3A_54 : i32 to vector<16xi32>
      %mul3A_56 = arith.muli %get3A_53, %mul3A_55 : vector<16xi32>
      %get3A_57 = arith.index_cast %mul3A_52 : i32 to index
      %get3A_58 = tpu.vector_load %arg9[%get3A_57] {strides = array<i32>} : memref<4000xi32, #tpu.memory_space<vmem>>, vector<16xi32>,
      %mul3A_59 = arith.constant 4 : i32
      %mul3A_60 = vector.broadcast %mul3A_59 : i32 to vector<16xi32>
      %mul3A_61 = arith.muli %get3A_58, %mul3A_60 : vector<16xi32>
      %gather3A = tpu.vector_load_idx %arg7[%mul3A_56] : memref<40000xf32, #tpu.memory_space<vmem>>[vector<16xi32>], vector<16xf32>,
      %add3A_62 = arith.constant 2 : i32
      %add3A_63 = vector.broadcast %add3A_62 : i32 to vector<16xi32>
      %add3A_64 = arith.addi %mul3A_61, %add3A_63 : vector<16xi32>
      %gather3A_65 = tpu.vector_load_idx %arg7[%add3A_64] : memref<40000xf32, #tpu.memory_space<vmem>>[vector<16xi32>], vector<16xf32>,
      %add3A_66 = arith.addf %gather3A, %gather3A_65 : vector<16xf32>
      %add3A_67 = arith.constant 1 : i32
      %add3A_68 = vector.broadcast %add3A_67 : i32 to vector<16xi32>
      %add3A_69 = arith.addi %mul3A_56, %add3A_68 : vector<16xi32>
      %gather3A_70 = tpu.vector_load_idx %arg7[%add3A_69] : memref<40000xf32, #tpu.memory_space<vmem>>[vector<16xi32>], vector<16xf32>,
      %add3A_71 = arith.constant 3 : i32
      %add3A_72 = vector.broadcast %add3A_71 : i32 to vector<16xi32>
      %add3A_73 = arith.addi %mul3A_61, %add3A_72 : vector<16xi32>
      %gather3A_74 = tpu.vector_load_idx %arg7[%add3A_73] : memref<40000xf32, #tpu.memory_space<vmem>>[vector<16xi32>], vector<16xf32>,
      %add3A_75 = arith.addf %gather3A_70, %gather3A_74 : vector<16xf32>
      %swap3A = arith.index_cast %mul3A_52 : i32 to index
      %swap3A_76 = tpu.vector_load %arg10[%swap3A] {strides = array<i32>} : memref<4000xf32, #tpu.memory_space<vmem>>, vector<16xf32>,
      tpu.vector_store %arg10[%swap3A], %add3A_66 {strides = array<i32>} : memref<4000xf32, #tpu.memory_space<vmem>>, vector<16xf32>,
      %swap3A_77 = arith.index_cast %mul3A_52 : i32 to index
      %swap3A_78 = tpu.vector_load %arg11[%swap3A_77] {strides = array<i32>} : memref<4000xf32, #tpu.memory_space<vmem>>, vector<16xf32>,
      tpu.vector_store %arg11[%swap3A_77], %add3A_75 {strides = array<i32>} : memref<4000xf32, #tpu.memory_space<vmem>>, vector<16xf32>,
    }
    %scan3A_29 = arith.constant 250 : i32
    "tpu.region"() ({
      %run_scoped3A = tpu.sem_alloc : memref<!tpu.dma_semaphore, #tpu.memory_space<semaphore_mem>>
      %dma_start3A = tpu.memref_slice %arg5[%add3A_23] : memref<640000xf32, #tpu.memory_space<hbm>> -> memref<4000xf32, #tpu.memory_space<hbm>>
      %dma_start3A_50 = tpu.memref_slice %arg5[%add3A_23] : memref<640000xf32, #tpu.memory_space<hbm>> -> memref<4000xf32, #tpu.memory_space<hbm>>
      tpu.enqueue_dma source(%arg10 : memref<4000xf32, #tpu.memory_space<vmem>>) target(%dma_start3A_50 : memref<4000xf32, #tpu.memory_space<hbm>>) target_semaphore(%run_scoped3A : memref<!tpu.dma_semaphore, #tpu.memory_space<semaphore_mem>>)
      %dma_wait3A = tpu.memref_slice %arg5[%add3A_23] : memref<640000xf32, #tpu.memory_space<hbm>> -> memref<4000xf32, #tpu.memory_space<hbm>>
      %dma_wait3A_51 = tpu.memref_slice %arg5[%add3A_23] : memref<640000xf32, #tpu.memory_space<hbm>> -> memref<4000xf32, #tpu.memory_space<hbm>>
      tpu.wait_dma2 semaphore(%run_scoped3A : memref<!tpu.dma_semaphore, #tpu.memory_space<semaphore_mem>>) src(%arg10 : memref<4000xf32, #tpu.memory_space<vmem>>) dst(%dma_wait3A_51 : memref<4000xf32, #tpu.memory_space<hbm>>)
      tpu.yield
    }) : () -> ()
    "tpu.region"() ({
      %run_scoped3A = tpu.sem_alloc : memref<!tpu.dma_semaphore, #tpu.memory_space<semaphore_mem>>
      %dma_start3A = tpu.memref_slice %arg6[%add3A_23] : memref<640000xf32, #tpu.memory_space<hbm>> -> memref<4000xf32, #tpu.memory_space<hbm>>
      %dma_start3A_50 = tpu.memref_slice %arg6[%add3A_23] : memref<640000xf32, #tpu.memory_space<hbm>> -> memref<4000xf32, #tpu.memory_space<hbm>>
      tpu.enqueue_dma source(%arg11 : memref<4000xf32, #tpu.memory_space<vmem>>) target(%dma_start3A_50 : memref<4000xf32, #tpu.memory_space<hbm>>) target_semaphore(%run_scoped3A : memref<!tpu.dma_semaphore, #tpu.memory_space<semaphore_mem>>)
      %dma_wait3A = tpu.memref_slice %arg6[%add3A_23] : memref<640000xf32, #tpu.memory_space<hbm>> -> memref<4000xf32, #tpu.memory_space<hbm>>
      %dma_wait3A_51 = tpu.memref_slice %arg6[%add3A_23] : memref<640000xf32, #tpu.memory_space<hbm>> -> memref<4000xf32, #tpu.memory_space<hbm>>
      tpu.wait_dma2 semaphore(%run_scoped3A : memref<!tpu.dma_semaphore, #tpu.memory_space<semaphore_mem>>) src(%arg11 : memref<4000xf32, #tpu.memory_space<vmem>>) dst(%dma_wait3A_51 : memref<4000xf32, #tpu.memory_space<hbm>>)
      tpu.yield
    }) : () -> ()
    %mul3A_30 = arith.constant 20000 : i32
    %mul3A_31 = arith.muli %add3A, %mul3A_30 : i32
    %add3A_32 = arith.constant 12000 : i32
    %add3A_33 = arith.addi %mul3A_31, %add3A_32 : i32
    "tpu.region"() ({
      %run_scoped3A = tpu.sem_alloc : memref<!tpu.dma_semaphore, #tpu.memory_space<semaphore_mem>>
      %dma_start3A = tpu.memref_slice %arg3[%add3A_33] : memref<640000xi32, #tpu.memory_space<hbm>> -> memref<4000xi32, #tpu.memory_space<hbm>>
      %dma_start3A_50 = tpu.memref_slice %arg3[%add3A_33] : memref<640000xi32, #tpu.memory_space<hbm>> -> memref<4000xi32, #tpu.memory_space<hbm>>
      tpu.enqueue_dma source(%dma_start3A_50 : memref<4000xi32, #tpu.memory_space<hbm>>) target(%arg8 : memref<4000xi32, #tpu.memory_space<vmem>>) target_semaphore(%run_scoped3A : memref<!tpu.dma_semaphore, #tpu.memory_space<semaphore_mem>>)
      %dma_wait3A = tpu.memref_slice %arg3[%add3A_33] : memref<640000xi32, #tpu.memory_space<hbm>> -> memref<4000xi32, #tpu.memory_space<hbm>>
      %dma_wait3A_51 = tpu.memref_slice %arg3[%add3A_33] : memref<640000xi32, #tpu.memory_space<hbm>> -> memref<4000xi32, #tpu.memory_space<hbm>>
      tpu.wait_dma2 semaphore(%run_scoped3A : memref<!tpu.dma_semaphore, #tpu.memory_space<semaphore_mem>>) src(%dma_wait3A_51 : memref<4000xi32, #tpu.memory_space<hbm>>) dst(%arg8 : memref<4000xi32, #tpu.memory_space<vmem>>)
      tpu.yield
    }) : () -> ()
    "tpu.region"() ({
      %run_scoped3A = tpu.sem_alloc : memref<!tpu.dma_semaphore, #tpu.memory_space<semaphore_mem>>
      %dma_start3A = tpu.memref_slice %arg4[%add3A_33] : memref<640000xi32, #tpu.memory_space<hbm>> -> memref<4000xi32, #tpu.memory_space<hbm>>
      %dma_start3A_50 = tpu.memref_slice %arg4[%add3A_33] : memref<640000xi32, #tpu.memory_space<hbm>> -> memref<4000xi32, #tpu.memory_space<hbm>>
      tpu.enqueue_dma source(%dma_start3A_50 : memref<4000xi32, #tpu.memory_space<hbm>>) target(%arg9 : memref<4000xi32, #tpu.memory_space<vmem>>) target_semaphore(%run_scoped3A : memref<!tpu.dma_semaphore, #tpu.memory_space<semaphore_mem>>)
      %dma_wait3A = tpu.memref_slice %arg4[%add3A_33] : memref<640000xi32, #tpu.memory_space<hbm>> -> memref<4000xi32, #tpu.memory_space<hbm>>
      %dma_wait3A_51 = tpu.memref_slice %arg4[%add3A_33] : memref<640000xi32, #tpu.memory_space<hbm>> -> memref<4000xi32, #tpu.memory_space<hbm>>
      tpu.wait_dma2 semaphore(%run_scoped3A : memref<!tpu.dma_semaphore, #tpu.memory_space<semaphore_mem>>) src(%dma_wait3A_51 : memref<4000xi32, #tpu.memory_space<hbm>>) dst(%arg9 : memref<4000xi32, #tpu.memory_space<vmem>>)
      tpu.yield
    }) : () -> ()
    %scan3A_34 = arith.constant 0 : i32
    %scan3A_35 = arith.constant 0 : i32
    %scan3A_36 = arith.constant 250 : i32
    %scan3A_37 = arith.addi %scan3A_35, %scan3A_36 : i32
    %scan3A_38 = arith.constant 1 : i32
    scf.for %scan3A_50 = %scan3A_35 to %scan3A_37 step %scan3A_38  : i32 {
      %mul3A_51 = arith.constant 16 : i32
      %mul3A_52 = arith.muli %scan3A_50, %mul3A_51 : i32
      %get3A = arith.index_cast %mul3A_52 : i32 to index
      %get3A_53 = tpu.vector_load %arg8[%get3A] {strides = array<i32>} : memref<4000xi32, #tpu.memory_space<vmem>>, vector<16xi32>,
      %mul3A_54 = arith.constant 4 : i32
      %mul3A_55 = vector.broadcast %mul3A_54 : i32 to vector<16xi32>
      %mul3A_56 = arith.muli %get3A_53, %mul3A_55 : vector<16xi32>
      %get3A_57 = arith.index_cast %mul3A_52 : i32 to index
      %get3A_58 = tpu.vector_load %arg9[%get3A_57] {strides = array<i32>} : memref<4000xi32, #tpu.memory_space<vmem>>, vector<16xi32>,
      %mul3A_59 = arith.constant 4 : i32
      %mul3A_60 = vector.broadcast %mul3A_59 : i32 to vector<16xi32>
      %mul3A_61 = arith.muli %get3A_58, %mul3A_60 : vector<16xi32>
      %gather3A = tpu.vector_load_idx %arg7[%mul3A_56] : memref<40000xf32, #tpu.memory_space<vmem>>[vector<16xi32>], vector<16xf32>,
      %add3A_62 = arith.constant 2 : i32
      %add3A_63 = vector.broadcast %add3A_62 : i32 to vector<16xi32>
      %add3A_64 = arith.addi %mul3A_61, %add3A_63 : vector<16xi32>
      %gather3A_65 = tpu.vector_load_idx %arg7[%add3A_64] : memref<40000xf32, #tpu.memory_space<vmem>>[vector<16xi32>], vector<16xf32>,
      %add3A_66 = arith.addf %gather3A, %gather3A_65 : vector<16xf32>
      %add3A_67 = arith.constant 1 : i32
      %add3A_68 = vector.broadcast %add3A_67 : i32 to vector<16xi32>
      %add3A_69 = arith.addi %mul3A_56, %add3A_68 : vector<16xi32>
      %gather3A_70 = tpu.vector_load_idx %arg7[%add3A_69] : memref<40000xf32, #tpu.memory_space<vmem>>[vector<16xi32>], vector<16xf32>,
      %add3A_71 = arith.constant 3 : i32
      %add3A_72 = vector.broadcast %add3A_71 : i32 to vector<16xi32>
      %add3A_73 = arith.addi %mul3A_61, %add3A_72 : vector<16xi32>
      %gather3A_74 = tpu.vector_load_idx %arg7[%add3A_73] : memref<40000xf32, #tpu.memory_space<vmem>>[vector<16xi32>], vector<16xf32>,
      %add3A_75 = arith.addf %gather3A_70, %gather3A_74 : vector<16xf32>
      %swap3A = arith.index_cast %mul3A_52 : i32 to index
      %swap3A_76 = tpu.vector_load %arg10[%swap3A] {strides = array<i32>} : memref<4000xf32, #tpu.memory_space<vmem>>, vector<16xf32>,
      tpu.vector_store %arg10[%swap3A], %add3A_66 {strides = array<i32>} : memref<4000xf32, #tpu.memory_space<vmem>>, vector<16xf32>,
      %swap3A_77 = arith.index_cast %mul3A_52 : i32 to index
      %swap3A_78 = tpu.vector_load %arg11[%swap3A_77] {strides = array<i32>} : memref<4000xf32, #tpu.memory_space<vmem>>, vector<16xf32>,
      tpu.vector_store %arg11[%swap3A_77], %add3A_75 {strides = array<i32>} : memref<4000xf32, #tpu.memory_space<vmem>>, vector<16xf32>,
    }
    %scan3A_39 = arith.constant 250 : i32
    "tpu.region"() ({
      %run_scoped3A = tpu.sem_alloc : memref<!tpu.dma_semaphore, #tpu.memory_space<semaphore_mem>>
      %dma_start3A = tpu.memref_slice %arg5[%add3A_33] : memref<640000xf32, #tpu.memory_space<hbm>> -> memref<4000xf32, #tpu.memory_space<hbm>>
      %dma_start3A_50 = tpu.memref_slice %arg5[%add3A_33] : memref<640000xf32, #tpu.memory_space<hbm>> -> memref<4000xf32, #tpu.memory_space<hbm>>
      tpu.enqueue_dma source(%arg10 : memref<4000xf32, #tpu.memory_space<vmem>>) target(%dma_start3A_50 : memref<4000xf32, #tpu.memory_space<hbm>>) target_semaphore(%run_scoped3A : memref<!tpu.dma_semaphore, #tpu.memory_space<semaphore_mem>>)
      %dma_wait3A = tpu.memref_slice %arg5[%add3A_33] : memref<640000xf32, #tpu.memory_space<hbm>> -> memref<4000xf32, #tpu.memory_space<hbm>>
      %dma_wait3A_51 = tpu.memref_slice %arg5[%add3A_33] : memref<640000xf32, #tpu.memory_space<hbm>> -> memref<4000xf32, #tpu.memory_space<hbm>>
      tpu.wait_dma2 semaphore(%run_scoped3A : memref<!tpu.dma_semaphore, #tpu.memory_space<semaphore_mem>>) src(%arg10 : memref<4000xf32, #tpu.memory_space<vmem>>) dst(%dma_wait3A_51 : memref<4000xf32, #tpu.memory_space<hbm>>)
      tpu.yield
    }) : () -> ()
    "tpu.region"() ({
      %run_scoped3A = tpu.sem_alloc : memref<!tpu.dma_semaphore, #tpu.memory_space<semaphore_mem>>
      %dma_start3A = tpu.memref_slice %arg6[%add3A_33] : memref<640000xf32, #tpu.memory_space<hbm>> -> memref<4000xf32, #tpu.memory_space<hbm>>
      %dma_start3A_50 = tpu.memref_slice %arg6[%add3A_33] : memref<640000xf32, #tpu.memory_space<hbm>> -> memref<4000xf32, #tpu.memory_space<hbm>>
      tpu.enqueue_dma source(%arg11 : memref<4000xf32, #tpu.memory_space<vmem>>) target(%dma_start3A_50 : memref<4000xf32, #tpu.memory_space<hbm>>) target_semaphore(%run_scoped3A : memref<!tpu.dma_semaphore, #tpu.memory_space<semaphore_mem>>)
      %dma_wait3A = tpu.memref_slice %arg6[%add3A_33] : memref<640000xf32, #tpu.memory_space<hbm>> -> memref<4000xf32, #tpu.memory_space<hbm>>
      %dma_wait3A_51 = tpu.memref_slice %arg6[%add3A_33] : memref<640000xf32, #tpu.memory_space<hbm>> -> memref<4000xf32, #tpu.memory_space<hbm>>
      tpu.wait_dma2 semaphore(%run_scoped3A : memref<!tpu.dma_semaphore, #tpu.memory_space<semaphore_mem>>) src(%arg11 : memref<4000xf32, #tpu.memory_space<vmem>>) dst(%dma_wait3A_51 : memref<4000xf32, #tpu.memory_space<hbm>>)
      tpu.yield
    }) : () -> ()
    %mul3A_40 = arith.constant 20000 : i32
    %mul3A_41 = arith.muli %add3A, %mul3A_40 : i32
    %add3A_42 = arith.constant 16000 : i32
    %add3A_43 = arith.addi %mul3A_41, %add3A_42 : i32
    "tpu.region"() ({
      %run_scoped3A = tpu.sem_alloc : memref<!tpu.dma_semaphore, #tpu.memory_space<semaphore_mem>>
      %dma_start3A = tpu.memref_slice %arg3[%add3A_43] : memref<640000xi32, #tpu.memory_space<hbm>> -> memref<4000xi32, #tpu.memory_space<hbm>>
      %dma_start3A_50 = tpu.memref_slice %arg3[%add3A_43] : memref<640000xi32, #tpu.memory_space<hbm>> -> memref<4000xi32, #tpu.memory_space<hbm>>
      tpu.enqueue_dma source(%dma_start3A_50 : memref<4000xi32, #tpu.memory_space<hbm>>) target(%arg8 : memref<4000xi32, #tpu.memory_space<vmem>>) target_semaphore(%run_scoped3A : memref<!tpu.dma_semaphore, #tpu.memory_space<semaphore_mem>>)
      %dma_wait3A = tpu.memref_slice %arg3[%add3A_43] : memref<640000xi32, #tpu.memory_space<hbm>> -> memref<4000xi32, #tpu.memory_space<hbm>>
      %dma_wait3A_51 = tpu.memref_slice %arg3[%add3A_43] : memref<640000xi32, #tpu.memory_space<hbm>> -> memref<4000xi32, #tpu.memory_space<hbm>>
      tpu.wait_dma2 semaphore(%run_scoped3A : memref<!tpu.dma_semaphore, #tpu.memory_space<semaphore_mem>>) src(%dma_wait3A_51 : memref<4000xi32, #tpu.memory_space<hbm>>) dst(%arg8 : memref<4000xi32, #tpu.memory_space<vmem>>)
      tpu.yield
    }) : () -> ()
    "tpu.region"() ({
      %run_scoped3A = tpu.sem_alloc : memref<!tpu.dma_semaphore, #tpu.memory_space<semaphore_mem>>
      %dma_start3A = tpu.memref_slice %arg4[%add3A_43] : memref<640000xi32, #tpu.memory_space<hbm>> -> memref<4000xi32, #tpu.memory_space<hbm>>
      %dma_start3A_50 = tpu.memref_slice %arg4[%add3A_43] : memref<640000xi32, #tpu.memory_space<hbm>> -> memref<4000xi32, #tpu.memory_space<hbm>>
      tpu.enqueue_dma source(%dma_start3A_50 : memref<4000xi32, #tpu.memory_space<hbm>>) target(%arg9 : memref<4000xi32, #tpu.memory_space<vmem>>) target_semaphore(%run_scoped3A : memref<!tpu.dma_semaphore, #tpu.memory_space<semaphore_mem>>)
      %dma_wait3A = tpu.memref_slice %arg4[%add3A_43] : memref<640000xi32, #tpu.memory_space<hbm>> -> memref<4000xi32, #tpu.memory_space<hbm>>
      %dma_wait3A_51 = tpu.memref_slice %arg4[%add3A_43] : memref<640000xi32, #tpu.memory_space<hbm>> -> memref<4000xi32, #tpu.memory_space<hbm>>
      tpu.wait_dma2 semaphore(%run_scoped3A : memref<!tpu.dma_semaphore, #tpu.memory_space<semaphore_mem>>) src(%dma_wait3A_51 : memref<4000xi32, #tpu.memory_space<hbm>>) dst(%arg9 : memref<4000xi32, #tpu.memory_space<vmem>>)
      tpu.yield
    }) : () -> ()
    %scan3A_44 = arith.constant 0 : i32
    %scan3A_45 = arith.constant 0 : i32
    %scan3A_46 = arith.constant 250 : i32
    %scan3A_47 = arith.addi %scan3A_45, %scan3A_46 : i32
    %scan3A_48 = arith.constant 1 : i32
    scf.for %scan3A_50 = %scan3A_45 to %scan3A_47 step %scan3A_48  : i32 {
      %mul3A_51 = arith.constant 16 : i32
      %mul3A_52 = arith.muli %scan3A_50, %mul3A_51 : i32
      %get3A = arith.index_cast %mul3A_52 : i32 to index
      %get3A_53 = tpu.vector_load %arg8[%get3A] {strides = array<i32>} : memref<4000xi32, #tpu.memory_space<vmem>>, vector<16xi32>,
      %mul3A_54 = arith.constant 4 : i32
      %mul3A_55 = vector.broadcast %mul3A_54 : i32 to vector<16xi32>
      %mul3A_56 = arith.muli %get3A_53, %mul3A_55 : vector<16xi32>
      %get3A_57 = arith.index_cast %mul3A_52 : i32 to index
      %get3A_58 = tpu.vector_load %arg9[%get3A_57] {strides = array<i32>} : memref<4000xi32, #tpu.memory_space<vmem>>, vector<16xi32>,
      %mul3A_59 = arith.constant 4 : i32
      %mul3A_60 = vector.broadcast %mul3A_59 : i32 to vector<16xi32>
      %mul3A_61 = arith.muli %get3A_58, %mul3A_60 : vector<16xi32>
      %gather3A = tpu.vector_load_idx %arg7[%mul3A_56] : memref<40000xf32, #tpu.memory_space<vmem>>[vector<16xi32>], vector<16xf32>,
      %add3A_62 = arith.constant 2 : i32
      %add3A_63 = vector.broadcast %add3A_62 : i32 to vector<16xi32>
      %add3A_64 = arith.addi %mul3A_61, %add3A_63 : vector<16xi32>
      %gather3A_65 = tpu.vector_load_idx %arg7[%add3A_64] : memref<40000xf32, #tpu.memory_space<vmem>>[vector<16xi32>], vector<16xf32>,
      %add3A_66 = arith.addf %gather3A, %gather3A_65 : vector<16xf32>
      %add3A_67 = arith.constant 1 : i32
      %add3A_68 = vector.broadcast %add3A_67 : i32 to vector<16xi32>
      %add3A_69 = arith.addi %mul3A_56, %add3A_68 : vector<16xi32>
      %gather3A_70 = tpu.vector_load_idx %arg7[%add3A_69] : memref<40000xf32, #tpu.memory_space<vmem>>[vector<16xi32>], vector<16xf32>,
      %add3A_71 = arith.constant 3 : i32
      %add3A_72 = vector.broadcast %add3A_71 : i32 to vector<16xi32>
      %add3A_73 = arith.addi %mul3A_61, %add3A_72 : vector<16xi32>
      %gather3A_74 = tpu.vector_load_idx %arg7[%add3A_73] : memref<40000xf32, #tpu.memory_space<vmem>>[vector<16xi32>], vector<16xf32>,
      %add3A_75 = arith.addf %gather3A_70, %gather3A_74 : vector<16xf32>
      %swap3A = arith.index_cast %mul3A_52 : i32 to index
      %swap3A_76 = tpu.vector_load %arg10[%swap3A] {strides = array<i32>} : memref<4000xf32, #tpu.memory_space<vmem>>, vector<16xf32>,
      tpu.vector_store %arg10[%swap3A], %add3A_66 {strides = array<i32>} : memref<4000xf32, #tpu.memory_space<vmem>>, vector<16xf32>,
      %swap3A_77 = arith.index_cast %mul3A_52 : i32 to index
      %swap3A_78 = tpu.vector_load %arg11[%swap3A_77] {strides = array<i32>} : memref<4000xf32, #tpu.memory_space<vmem>>, vector<16xf32>,
      tpu.vector_store %arg11[%swap3A_77], %add3A_75 {strides = array<i32>} : memref<4000xf32, #tpu.memory_space<vmem>>, vector<16xf32>,
    }
    %scan3A_49 = arith.constant 250 : i32
    "tpu.region"() ({
      %run_scoped3A = tpu.sem_alloc : memref<!tpu.dma_semaphore, #tpu.memory_space<semaphore_mem>>
      %dma_start3A = tpu.memref_slice %arg5[%add3A_43] : memref<640000xf32, #tpu.memory_space<hbm>> -> memref<4000xf32, #tpu.memory_space<hbm>>
      %dma_start3A_50 = tpu.memref_slice %arg5[%add3A_43] : memref<640000xf32, #tpu.memory_space<hbm>> -> memref<4000xf32, #tpu.memory_space<hbm>>
      tpu.enqueue_dma source(%arg10 : memref<4000xf32, #tpu.memory_space<vmem>>) target(%dma_start3A_50 : memref<4000xf32, #tpu.memory_space<hbm>>) target_semaphore(%run_scoped3A : memref<!tpu.dma_semaphore, #tpu.memory_space<semaphore_mem>>)
      %dma_wait3A = tpu.memref_slice %arg5[%add3A_43] : memref<640000xf32, #tpu.memory_space<hbm>> -> memref<4000xf32, #tpu.memory_space<hbm>>
      %dma_wait3A_51 = tpu.memref_slice %arg5[%add3A_43] : memref<640000xf32, #tpu.memory_space<hbm>> -> memref<4000xf32, #tpu.memory_space<hbm>>
      tpu.wait_dma2 semaphore(%run_scoped3A : memref<!tpu.dma_semaphore, #tpu.memory_space<semaphore_mem>>) src(%arg10 : memref<4000xf32, #tpu.memory_space<vmem>>) dst(%dma_wait3A_51 : memref<4000xf32, #tpu.memory_space<hbm>>)
      tpu.yield
    }) : () -> ()
    "tpu.region"() ({
      %run_scoped3A = tpu.sem_alloc : memref<!tpu.dma_semaphore, #tpu.memory_space<semaphore_mem>>
      %dma_start3A = tpu.memref_slice %arg6[%add3A_43] : memref<640000xf32, #tpu.memory_space<hbm>> -> memref<4000xf32, #tpu.memory_space<hbm>>
      %dma_start3A_50 = tpu.memref_slice %arg6[%add3A_43] : memref<640000xf32, #tpu.memory_space<hbm>> -> memref<4000xf32, #tpu.memory_space<hbm>>
      tpu.enqueue_dma source(%arg11 : memref<4000xf32, #tpu.memory_space<vmem>>) target(%dma_start3A_50 : memref<4000xf32, #tpu.memory_space<hbm>>) target_semaphore(%run_scoped3A : memref<!tpu.dma_semaphore, #tpu.memory_space<semaphore_mem>>)
      %dma_wait3A = tpu.memref_slice %arg6[%add3A_43] : memref<640000xf32, #tpu.memory_space<hbm>> -> memref<4000xf32, #tpu.memory_space<hbm>>
      %dma_wait3A_51 = tpu.memref_slice %arg6[%add3A_43] : memref<640000xf32, #tpu.memory_space<hbm>> -> memref<4000xf32, #tpu.memory_space<hbm>>
      tpu.wait_dma2 semaphore(%run_scoped3A : memref<!tpu.dma_semaphore, #tpu.memory_space<semaphore_mem>>) src(%arg11 : memref<4000xf32, #tpu.memory_space<vmem>>) dst(%dma_wait3A_51 : memref<4000xf32, #tpu.memory_space<hbm>>)
      tpu.yield
    }) : () -> ()
    return
  }
}

module attributes {stable_mosaic.version = 14 : i64} {
  func.func @_mlp_body(%arg0: i32, %arg1: memref<1000x768xf32, #tpu.memory_space<vmem>>, %arg2: memref<768x64xf32, #tpu.memory_space<vmem>>, %arg3: memref<1x64xf32, #tpu.memory_space<vmem>>, %arg4: memref<64x64xf32, #tpu.memory_space<vmem>>, %arg5: memref<1x64xf32, #tpu.memory_space<vmem>>, %arg6: memref<64x4xf32, #tpu.memory_space<vmem>>, %arg7: memref<1x4xf32, #tpu.memory_space<vmem>>, %arg8: memref<1000x4xf32, #tpu.memory_space<vmem>>) attributes {dimension_semantics = [#tpu.dimension_semantics<arbitrary>], iteration_bounds = array<i64: 10>, scalar_prefetch = 0 : i64, scratch_operands = 0 : i64, tpu.core_type = #tpu.core_type<tc>, window_params = [{transform_indices = @transform_0, window_bounds = array<i64: 1000, 768>}, {pipeline_mode = #tpu.pipeline_mode<synchronous>, transform_indices = @transform_1, window_bounds = array<i64: 768, 64>}, {pipeline_mode = #tpu.pipeline_mode<synchronous>, transform_indices = @transform_2, window_bounds = array<i64: 1, 64>}, {pipeline_mode = #tpu.pipeline_mode<synchronous>, transform_indices = @transform_3, window_bounds = array<i64: 64, 64>}, {pipeline_mode = #tpu.pipeline_mode<synchronous>, transform_indices = @transform_4, window_bounds = array<i64: 1, 64>}, {pipeline_mode = #tpu.pipeline_mode<synchronous>, transform_indices = @transform_5, window_bounds = array<i64: 64, 4>}, {pipeline_mode = #tpu.pipeline_mode<synchronous>, transform_indices = @transform_6, window_bounds = array<i64: 1, 4>}, {transform_indices = @transform_7, window_bounds = array<i64: 1000, 4>}]} {
    %get3A = arith.constant 0 : index
    %get3A_0 = arith.constant 0 : index
    %get3A_1 = vector.load %arg1[%get3A, %get3A_0] : memref<1000x768xf32, #tpu.memory_space<vmem>>, vector<1000x768xf32>
    %get3A_2 = arith.constant 0 : index
    %get3A_3 = arith.constant 0 : index
    %get3A_4 = vector.load %arg2[%get3A_2, %get3A_3] : memref<768x64xf32, #tpu.memory_space<vmem>>, vector<768x64xf32>
    %dot_general3A = arith.constant dense<0.000000e+00> : vector<1000x64xf32>
    %dot_general3A_5 = tpu.matmul %get3A_1, %get3A_4, %dot_general3A {dimension_numbers = #tpu.dot_dimension_numbers<[1], [0], [0], [1], [0, 0, 1, 1], [], []>, transpose_lhs_hint = false} : vector<1000x768xf32>, vector<768x64xf32>, vector<1000x64xf32> -> vector<1000x64xf32>
    %get3A_6 = arith.constant 0 : index
    %get3A_7 = arith.constant 0 : index
    %get3A_8 = vector.load %arg3[%get3A_6, %get3A_7] : memref<1x64xf32, #tpu.memory_space<vmem>>, vector<1x64xf32>
    %add3A = vector.broadcast %get3A_8 : vector<1x64xf32> to vector<1000x64xf32>
    %add3A_9 = arith.addf %dot_general3A_5, %add3A : vector<1000x64xf32>
    %max3A = arith.constant 0.000000e+00 : f32
    %max3A_10 = vector.broadcast %max3A : f32 to vector<1000x64xf32>
    %max3A_11 = arith.maximumf %add3A_9, %max3A_10 : vector<1000x64xf32>
    %get3A_12 = arith.constant 0 : index
    %get3A_13 = arith.constant 0 : index
    %get3A_14 = vector.load %arg4[%get3A_12, %get3A_13] : memref<64x64xf32, #tpu.memory_space<vmem>>, vector<64x64xf32>
    %dot_general3A_15 = arith.constant dense<0.000000e+00> : vector<1000x64xf32>
    %dot_general3A_16 = tpu.matmul %max3A_11, %get3A_14, %dot_general3A_15 {dimension_numbers = #tpu.dot_dimension_numbers<[1], [0], [0], [1], [0, 0, 1, 1], [], []>, transpose_lhs_hint = false} : vector<1000x64xf32>, vector<64x64xf32>, vector<1000x64xf32> -> vector<1000x64xf32>
    %get3A_17 = arith.constant 0 : index
    %get3A_18 = arith.constant 0 : index
    %get3A_19 = vector.load %arg5[%get3A_17, %get3A_18] : memref<1x64xf32, #tpu.memory_space<vmem>>, vector<1x64xf32>
    %add3A_20 = vector.broadcast %get3A_19 : vector<1x64xf32> to vector<1000x64xf32>
    %add3A_21 = arith.addf %dot_general3A_16, %add3A_20 : vector<1000x64xf32>
    %max3A_22 = arith.constant 0.000000e+00 : f32
    %max3A_23 = vector.broadcast %max3A_22 : f32 to vector<1000x64xf32>
    %max3A_24 = arith.maximumf %add3A_21, %max3A_23 : vector<1000x64xf32>
    %get3A_25 = arith.constant 0 : index
    %get3A_26 = arith.constant 0 : index
    %get3A_27 = vector.load %arg6[%get3A_25, %get3A_26] : memref<64x4xf32, #tpu.memory_space<vmem>>, vector<64x4xf32>
    %dot_general3A_28 = arith.constant dense<0.000000e+00> : vector<1000x4xf32>
    %dot_general3A_29 = tpu.matmul %max3A_24, %get3A_27, %dot_general3A_28 {dimension_numbers = #tpu.dot_dimension_numbers<[1], [0], [0], [1], [0, 0, 1, 1], [], []>, transpose_lhs_hint = false} : vector<1000x64xf32>, vector<64x4xf32>, vector<1000x4xf32> -> vector<1000x4xf32>
    %get3A_30 = arith.constant 0 : index
    %get3A_31 = arith.constant 0 : index
    %get3A_32 = vector.load %arg7[%get3A_30, %get3A_31] : memref<1x4xf32, #tpu.memory_space<vmem>>, vector<1x4xf32>
    %add3A_33 = vector.broadcast %get3A_32 : vector<1x4xf32> to vector<1000x4xf32>
    %add3A_34 = arith.addf %dot_general3A_29, %add3A_33 : vector<1000x4xf32>
    %swap3A = arith.constant 0 : index
    %swap3A_35 = arith.constant 0 : index
    %swap3A_36 = vector.load %arg8[%swap3A, %swap3A_35] : memref<1000x4xf32, #tpu.memory_space<vmem>>, vector<1000x4xf32>
    tpu.vector_store %arg8[%swap3A, %swap3A_35], %add3A_34 {strides = array<i32>} : memref<1000x4xf32, #tpu.memory_space<vmem>>, vector<1000x4xf32>,
    return
  }
  func.func @transform_0(%arg0: i32) -> (i32, i32) {
    %c0_i32 = arith.constant 0 : i32
    %c0_i32_0 = arith.constant 0 : i32
    return %arg0, %c0_i32 : i32, i32
  }
  func.func @transform_1(%arg0: i32) -> (i32, i32) {
    %c0_i32 = arith.constant 0 : i32
    %c0_i32_0 = arith.constant 0 : i32
    %c0_i32_1 = arith.constant 0 : i32
    return %c0_i32, %c0_i32_0 : i32, i32
  }
  func.func @transform_2(%arg0: i32) -> (i32, i32) {
    %c0_i32 = arith.constant 0 : i32
    %c0_i32_0 = arith.constant 0 : i32
    %c0_i32_1 = arith.constant 0 : i32
    return %c0_i32, %c0_i32_0 : i32, i32
  }
  func.func @transform_3(%arg0: i32) -> (i32, i32) {
    %c0_i32 = arith.constant 0 : i32
    %c0_i32_0 = arith.constant 0 : i32
    %c0_i32_1 = arith.constant 0 : i32
    return %c0_i32, %c0_i32_0 : i32, i32
  }
  func.func @transform_4(%arg0: i32) -> (i32, i32) {
    %c0_i32 = arith.constant 0 : i32
    %c0_i32_0 = arith.constant 0 : i32
    %c0_i32_1 = arith.constant 0 : i32
    return %c0_i32, %c0_i32_0 : i32, i32
  }
  func.func @transform_5(%arg0: i32) -> (i32, i32) {
    %c0_i32 = arith.constant 0 : i32
    %c0_i32_0 = arith.constant 0 : i32
    %c0_i32_1 = arith.constant 0 : i32
    return %c0_i32, %c0_i32_0 : i32, i32
  }
  func.func @transform_6(%arg0: i32) -> (i32, i32) {
    %c0_i32 = arith.constant 0 : i32
    %c0_i32_0 = arith.constant 0 : i32
    %c0_i32_1 = arith.constant 0 : i32
    return %c0_i32, %c0_i32_0 : i32, i32
  }
  func.func @transform_7(%arg0: i32) -> (i32, i32) {
    %c0_i32 = arith.constant 0 : i32
    %c0_i32_0 = arith.constant 0 : i32
    return %arg0, %c0_i32 : i32, i32
  }
}

module attributes {stable_mosaic.version = 14 : i64} {
  func.func @_loss_body(%arg0: i32, %arg1: memref<1000x128xf32, #tpu.memory_space<vmem>>, %arg2: memref<1000x128xf32, #tpu.memory_space<vmem>>, %arg3: memref<1000x128xi32, #tpu.memory_space<vmem>>, %arg4: memref<1x1xf32, #tpu.memory_space<vmem>>, %arg5: memref<1xf32, #tpu.memory_space<smem>>) attributes {dimension_semantics = [#tpu.dimension_semantics<arbitrary>], iteration_bounds = array<i64: 5>, scalar_prefetch = 0 : i64, scratch_operands = 1 : i64, tpu.core_type = #tpu.core_type<tc>, window_params = [{transform_indices = @transform_0, window_bounds = array<i64: 1000, 128>}, {transform_indices = @transform_1, window_bounds = array<i64: 1000, 128>}, {transform_indices = @transform_2, window_bounds = array<i64: 1000, 128>}, {pipeline_mode = #tpu.pipeline_mode<synchronous>, transform_indices = @transform_3, window_bounds = array<i64: 1, 1>}]} {
    %get3A = arith.constant 0 : index
    %get3A_0 = arith.constant 0 : index
    %get3A_1 = vector.load %arg1[%get3A, %get3A_0] : memref<1000x128xf32, #tpu.memory_space<vmem>>, vector<1000x128xf32>
    %get3A_2 = arith.constant 0 : index
    %get3A_3 = arith.constant 0 : index
    %get3A_4 = vector.load %arg2[%get3A_2, %get3A_3] : memref<1000x128xf32, #tpu.memory_space<vmem>>, vector<1000x128xf32>
    %max3A = arith.maximumf %get3A_1, %get3A_4 : vector<1000x128xf32>
    %sub3A = arith.subf %get3A_1, %max3A : vector<1000x128xf32>
    %exp3A = math.exp %sub3A : vector<1000x128xf32>
    %sub3A_5 = arith.subf %get3A_4, %max3A : vector<1000x128xf32>
    %exp3A_6 = math.exp %sub3A_5 : vector<1000x128xf32>
    %add3A = arith.addf %exp3A, %exp3A_6 : vector<1000x128xf32>
    %log3A = math.log %add3A : vector<1000x128xf32>
    %add3A_7 = arith.addf %max3A, %log3A : vector<1000x128xf32>
    %get3A_8 = arith.constant 0 : index
    %get3A_9 = arith.constant 0 : index
    %get3A_10 = vector.load %arg3[%get3A_8, %get3A_9] : memref<1000x128xi32, #tpu.memory_space<vmem>>, vector<1000x128xi32>
    %eq3A = arith.constant 0 : i32
    %eq3A_11 = vector.broadcast %eq3A : i32 to vector<1000x128xi32>
    %eq3A_12 = arith.cmpi eq, %get3A_10, %eq3A_11 : vector<1000x128xi32>
    %select_n3A = arith.select %eq3A_12, %get3A_1, %get3A_4 : vector<1000x128xi1>, vector<1000x128xf32>
    %sub3A_13 = arith.subf %add3A_7, %select_n3A : vector<1000x128xf32>
    %reduce_sum3A = vector.shape_cast %sub3A_13 : vector<1000x128xf32> to vector<1x1000x128xf32>
    %reduce_sum3A_14 = arith.constant dense<0.000000e+00> : vector<1xf32>
    %reduce_sum3A_15 = vector.multi_reduction <add>, %reduce_sum3A, %reduce_sum3A_14 [1, 2] : vector<1x1000x128xf32> to vector<1xf32>
    %reduce_sum3A_16 = vector.shape_cast %reduce_sum3A_15 : vector<1xf32> to vector<1x1x1xf32>
    %reduce_sum3A_17 = vector.extract %reduce_sum3A_16[0, 0, 0] : f32 from vector<1x1x1xf32>
    %eq3A_18 = arith.constant 0 : i32
    %eq3A_19 = arith.cmpi eq, %arg0, %eq3A_18 : i32
    %convert_element_type3A = arith.extui %eq3A_19 : i1 to i32
    %cond3A = arith.constant 0 : i32
    %cond3A_20 = arith.cmpi ne, %convert_element_type3A, %cond3A : i32
    scf.if %cond3A_20 {
      %swap3A_30 = arith.constant 0.000000e+00 : f32
      %swap3A_31 = arith.constant 0 : index
      %swap3A_32 = memref.load %arg5[%swap3A_31] : memref<1xf32, #tpu.memory_space<smem>>
      memref.store %swap3A_30, %arg5[%swap3A_31] : memref<1xf32, #tpu.memory_space<smem>>
    } else {
    }
    %get3A_21 = arith.constant 0 : index
    %get3A_22 = memref.load %arg5[%get3A_21] : memref<1xf32, #tpu.memory_space<smem>>
    %add3A_23 = arith.addf %get3A_22, %reduce_sum3A_17 : f32
    %swap3A = arith.constant 0 : index
    %swap3A_24 = memref.load %arg5[%swap3A] : memref<1xf32, #tpu.memory_space<smem>>
    memref.store %add3A_23, %arg5[%swap3A] : memref<1xf32, #tpu.memory_space<smem>>
    %eq3A_25 = arith.constant 4 : i32
    %eq3A_26 = arith.cmpi eq, %arg0, %eq3A_25 : i32
    %convert_element_type3A_27 = arith.extui %eq3A_26 : i1 to i32
    %cond3A_28 = arith.constant 0 : i32
    %cond3A_29 = arith.cmpi ne, %convert_element_type3A_27, %cond3A_28 : i32
    scf.if %cond3A_29 {
      %get3A_30 = arith.constant 0 : index
      %get3A_31 = memref.load %arg5[%get3A_30] : memref<1xf32, #tpu.memory_space<smem>>
      %div3A = arith.constant 6.400000e+05 : f32
      %div3A_32 = arith.divf %get3A_31, %div3A : f32
      %broadcast_in_dim3A = vector.broadcast %div3A_32 : f32 to vector<1x1xf32>
      %swap3A_33 = arith.constant 0 : index
      %swap3A_34 = arith.constant 0 : index
      %swap3A_35 = vector.load %arg4[%swap3A_33, %swap3A_34] : memref<1x1xf32, #tpu.memory_space<vmem>>, vector<1x1xf32>
      tpu.vector_store %arg4[%swap3A_33, %swap3A_34], %broadcast_in_dim3A {strides = array<i32>} : memref<1x1xf32, #tpu.memory_space<vmem>>, vector<1x1xf32>,
    } else {
    }
    return
  }
  func.func @transform_0(%arg0: i32) -> (i32, i32) {
    %c0_i32 = arith.constant 0 : i32
    %c0_i32_0 = arith.constant 0 : i32
    return %arg0, %c0_i32 : i32, i32
  }
  func.func @transform_1(%arg0: i32) -> (i32, i32) {
    %c0_i32 = arith.constant 0 : i32
    %c0_i32_0 = arith.constant 0 : i32
    return %arg0, %c0_i32 : i32, i32
  }
  func.func @transform_2(%arg0: i32) -> (i32, i32) {
    %c0_i32 = arith.constant 0 : i32
    %c0_i32_0 = arith.constant 0 : i32
    return %arg0, %c0_i32 : i32, i32
  }
  func.func @transform_3(%arg0: i32) -> (i32, i32) {
    %c0_i32 = arith.constant 0 : i32
    %c0_i32_0 = arith.constant 0 : i32
    %c0_i32_1 = arith.constant 0 : i32
    return %c0_i32, %c0_i32_0 : i32, i32
  }
}

</mosaic_0001>

<sc_bundles>
// kernel: kernel.5.cloned.1.call-start
scs
__scs_entry_jumppad:
0x0: {  	(pc) =	sbr.rel $0x88, $3  }
0x1: {  	(tag) =	ssettag $0x0;
	lr =	simm.s32 $0x1  }
0x2: {  	[smem:$0x3F98] =	sst lr;
	_ =	strace $0xD0000000  }
0x3: {  	_ = 	snop  }
0x4: {  	_ = 	snop  }
0x5: {  	_ = 	snop  }
0x6: {  	_ = 	snop  }
0x7: {  	_ = 	snop  }
__scs_overlays_trampoline_lowered:
0x8: {  	[smem:$0x3FA7] =	sst s0  }
0x9: {  	[smem:$0x3FA8] =	sst s1  }
0xa: {  	[smem:$0x3FA9] =	sst s2  }
0xb: {  	[smem:$0x3FAA] =	sst s3  }
0xc: {  	[smem:$0x3FAB] =	sst s4  }
0xd: {  	[smem:$0x3FAC] =	sst s5  }
0xe: {  	[smem:$0x3FAD] =	sst s6  }
0xf: {  	[smem:$0x3FAE] =	sst s7  }
0x10: {  	[smem:$0x3FAF] =	sst s8  }
0x11: {  	[smem:$0x3FB0] =	sst s9;
	s0 =	simm.s32 @!p0 $0x0  }
0x12: {  	s1 =	sld [smem:$0x3F96];
	s0 =	simm.s32 @p0 $0x1  }
0x13: {  	[smem:$0x3FB1] =	sst s0;
	s0 =	simm.s32 @!p1 $0x0  }
0x14: {  	s2 =	sld [smem:$0x3F95];
	s0 =	simm.s32 @p1 $0x1  }
0x15: {  	[smem:$0x3FB2] =	sst s0;
	s0 =	simm.s32 @!p2 $0x0  }
0x16: {  	s3 =	sld [smem:$0x3FDB];
	s0 =	simm.s32 @p2 $0x1  }
0x17: {  	s4 =	simm.s32 $0x1BF5;
	[smem:$0x3FB4] =	sst s0  }
0x18: {  	s0 =	sld [smem:$0x3F97];
	_ =	swait.ge [sflag:s4], $0x0  }
0x19: {  	s7 =	sld [smem:$0x3F98]  }
0x1a: {  	s8 =	sadd.s32 $0xFFFFE003, lr  }
0x1b: {  	s9 =	sadd.s32 $0xFFFFFEF7, lr;
	s5 =	simm.s32 $0xFFFFFFFF;
	p2 =	slt.u32 s8, $0xFFFFF086  }
0x1c: {  	p1 =	slt.u32 s9, $0xF7A;
	s5 =	simm.s32 @!p2 $0x0  }
0x1d: {  	s5 =	simm.s32 @p1 $0x1;
	p0 =	seq.s32 s7, s2  }
0x1e: {  	s7 =	smul.u32 @!p0 $0xF7A, s2;
	p2 =	seq.s32 @!p0 s5, $0x0  }
0x1f: {  	s9 =	smul.u32 $0xF7A, s1;
	s8 =	simm.s32 @!p0 $0x1BF5;
	p2 =	por !p2, p0  }
0x20: {  	[sflag:s8] =	ssyncset.s32 @!p0 $0xFFFFF086;
	s6 =	sadd.s32 @!p0 s3, s7;
	s7 =	simm.s32 @!p0 $0x108  }
0x21: {  	s3 =	sadd.s32 s3, s9;
	s6 =	sadd.s32 @!p0 $0x88, s6;
	s7 =	simm.s32 @p2 $0x1082  }
0x22: {  	[simem:s7], [sflag:s8] =	dma.local @!p0 [hbm:s6], $0xF7A  }
0x23: {  	s9 =	sor.u32 $0xD0000000, s2;
	s6 =	simm.s32 $0x108;
	_ =	swait.ge @!p0 [sflag:s8], $0x0  }
0x24: {  	s3 =	sadd.s32 $0x88, s3;
	s6 =	simm.s32 @!p1 $0x1082;
	[sflag:s4] =	ssyncset.s32 $0xFFFFF086  }
0x25: {  	[simem:s6], [sflag:s4] =	dma.local [hbm:s3], $0xF7A  }
0x26: {  	[smem:$0x3F98] =	sst s1;
	(tag) =	ssettag s2;
	_ =	strace s9  }
0x27: {  	s1 =	sld [smem:$0x3FA8]  }
0x28: {  	s2 =	sld [smem:$0x3FA9]  }
0x29: {  	s4 =	sld [smem:$0x3FAB]  }
0x2a: {  	p0 =	seq.s32 s5, $0x0;
	s5 =	sld [smem:$0x3FAC]  }
0x2b: {  	s6 =	sld [smem:$0x3FAD]  }
0x2c: {  	s7 =	sld [smem:$0x3FAE]  }
0x2d: {  	s3 =	simm.s32 $0x108;
	s8 =	sld [smem:$0x3FAF]  }
0x2e: {  	s3 =	simm.s32 @!p0 $0x1082;
	s9 =	sld [smem:$0x3FB0]  }
0x2f: {  	lr =	sadd.s32 s0, s3;
	s0 =	sld [smem:$0x3FA7]  }
0x30: {  	s3 =	sld [smem:$0x3FAA]  }
0x31: {  	[smem:$0x3FB3] =	sst s10  }
0x32: {  	s10 =	sld [smem:$0x3FB1];
	_ =	sdelay $0x3  }
0x33: {  	p0 =	seq.s32 s10, $0x1;
	s10 =	sld [smem:$0x3FB3];
	_ =	sdelay $0x3  }
0x34: {  	[smem:$0x3FB3] =	sst s10  }
0x35: {  	s10 =	sld [smem:$0x3FB2];
	_ =	sdelay $0x3  }
0x36: {  	p1 =	seq.s32 s10, $0x1;
	s10 =	sld [smem:$0x3FB3];
	_ =	sdelay $0x3  }
0x37: {  	[smem:$0x3FB3] =	sst s10  }
0x38: {  	s10 =	sld [smem:$0x3FB4]  }
0x39: {  	_ = 	snop;
	(pc) =	sbr.ind lr, $3  }
0x3a: {  	_ = 	snop  }
0x3b: {  	_ = 	snop  }
0x3c: {  	p2 =	seq.s32 s10, $0x1;
	s10 =	sld [smem:$0x3FB3]  }
0x3d: {  	_ =	shalt  }
0x3e: {  	_ =	shalt  }
0x3f: {  	_ =	shalt  }
0x40: {  	_ =	shalt  }
0x41: {  	_ =	shalt  }
0x42: {  	_ =	shalt  }
0x43: {  	_ =	shalt  }
0x44: {  	_ =	shalt  }
0x45: {  	_ =	shalt  }
0x46: {  	_ =	shalt  }
0x47: {  	_ =	shalt  }
0x48: {  	_ =	shalt  }
0x49: {  	_ =	shalt  }
0x4a: {  	_ =	shalt  }
0x4b: {  	_ =	shalt  }
0x4c: {  	_ =	shalt  }
0x4d: {  	_ =	shalt  }
0x4e: {  	_ =	shalt  }
0x4f: {  	_ =	shalt  }
0x50: {  	_ =	shalt  }
0x51: {  	_ =	shalt  }
0x52: {  	_ =	shalt  }
0x53: {  	_ =	shalt  }
0x54: {  	_ =	shalt  }
0x55: {  	_ =	shalt  }
0x56: {  	_ =	shalt  }
0x57: {  	_ =	shalt  }
0x58: {  	_ =	shalt  }
0x59: {  	_ =	shalt  }
0x5a: {  	_ =	shalt  }
0x5b: {  	_ =	shalt  }
0x5c: {  	_ =	shalt  }
0x5d: {  	_ =	shalt  }
0x5e: {  	_ =	shalt  }
0x5f: {  	_ =	shalt  }
0x60: {  	_ =	shalt  }
0x61: {  	_ =	shalt  }
0x62: {  	_ =	shalt  }
0x63: {  	_ =	shalt  }
0x64: {  	_ =	shalt  }
0x65: {  	_ =	shalt  }
0x66: {  	_ =	shalt  }
0x67: {  	_ =	shalt  }
0x68: {  	_ =	shalt  }
0x69: {  	_ =	shalt  }
0x6a: {  	_ =	shalt  }
0x6b: {  	_ =	shalt  }
0x6c: {  	_ =	shalt  }
0x6d: {  	_ =	shalt  }
0x6e: {  	_ =	shalt  }
0x6f: {  	_ =	shalt  }
0x70: {  	_ =	shalt  }
0x71: {  	_ =	shalt  }
0x72: {  	_ =	shalt  }
0x73: {  	_ =	shalt  }
0x74: {  	_ =	shalt  }
0x75: {  	_ =	shalt  }
0x76: {  	_ =	shalt  }
0x77: {  	_ =	shalt  }
0x78: {  	_ =	shalt  }
0x79: {  	_ =	shalt  }
0x7a: {  	_ =	shalt  }
0x7b: {  	_ =	shalt  }
0x7c: {  	_ =	shalt  }
0x7d: {  	_ =	shalt  }
0x7e: {  	_ =	shalt  }
0x7f: {  	_ =	shalt  }
0x80: {  	_ =	shalt  }
0x81: {  	_ =	shalt  }
0x82: {  	_ =	shalt  }
0x83: {  	_ =	shalt  }
0x84: {  	_ =	shalt  }
0x85: {  	_ =	shalt  }
0x86: {  	_ =	shalt  }
0x87: {  	_ =	shalt  }
.Lfunc_end0:
.L_simem_size_0:
called_computation_lowered:
.L_overlay_start_0:
0x88: {  	s2 =	sld [smem:$0x3FD9]  }
0x89: {  	s3 =	sld [smem:$0x3FFE];
	_ =	sdelay $0x1  }
0x8a: {  	s1 =	srdreg.scid  }
0x8b: {  	s0 =	sand.u32 $0x1, s1  }
0x8c: {  	s14 =	sshll.u32 s0, $0xA;
	s2 =	sadd.s32 s3, s2  }
0x8d: {  	s2 =	sadd.s32 s2, s14  }
0x8e: {  	[smem:$0x3FBF] =	sst s2  }
0x8f: {  	_ = 	snop  }
0x90: {  	s2 =	sld [smem:$0x3FD0];
	_ =	sdelay $0x2  }
0x91: {  	s15 =	simm.s32 $0xA;
	s4 =	simm.s32 $0x10  }
0x92: {  	[smem:s4], [sflag:s15] =	dma.local [hbm:s2], $0x1  }
0x93: {  	_ =	swait.eq [sflag:s15], $0x1  }
0x94: {  	[sflag:s15] =	ssyncset.done $0x0  }
0x95: {  	[sflag:s15] =	ssyncadd.s32 $0xFFFFFFFF  }
0x96: {  	s16 =	sld [smem:$0x11];
	(tm) =	ssettm $0x1  }
0x97: {  	s17 =	sld [smem:$0x3FFB];
	_ =	sdelay $0x3  }
0x98: {  	_ =	strace s17  }
0x99: {  	s3 =	sld [smem:$0x3FFC];
	_ =	sdelay $0x3  }
0x9a: {  	_ =	strace s3  }
0x9b: {  	s3 =	sld [smem:$0x3FFD];
	_ =	sdelay $0x3  }
0x9c: {  	_ =	strace s3  }
0x9d: {  	_ =	strace $0x8FFFFFFF  }
0x9e: {  	s18 =	sld [smem:$0x3FDB];
	_ =	sdelay $0x1  }
0x9f: {  	s19 =	simm.s32 $_scs_section_size  }
0xa0: {  	s5 =	simm.s32 $_size__tile_overlayer_lowered;
	s6 =	simm.s32 $_tile_overlayer_lowered  }
0xa1: {  	s22 =	simm.s32 $0x1BFF;
	s21 =	sshll.u32 s6, $0x1;
	s3 =	sadd.s32 s19, s18  }
0xa2: {  	s7 =	simm.s32 $0x0;
	s20 =	sshll.u32 s5, $0x1;
	s5 =	sadd.s32 s21, s3  }
0xa3: {  	[timem:s7], [sflag:s22] =	dma.local [hbm:s5], s20  }
0xa4: {  	_ =	swait.ge [sflag:s22], s20  }
0xa5: {  	s4 =	ssub.s32 $0x0, s20;
	[sflag:s22] =	ssyncset.done $0x0  }
0xa6: {  	[sflag:s22] =	ssyncadd.s32 s4;
	_ =	sdelay $0x1  }
0xa7: {  	s23 =	simm.s32 $0x1B8B  }
0xa8: {  	_ =	swait.ge [sflag:s23], $0x1  }
0xa9: {  	[sflag:s23] =	ssyncset.done $0x0  }
0xaa: {  	s25 =	simm.s32 $0x1B8E;
	s24 =	sld [smem:$0x3FFE];
	[sflag:s23] =	ssyncadd.s32 $0xFFFFFFFF  }
0xab: {  	s26 =	simm.s32 $execute0_lowered;
	[smem:$0x3FD2] =	sst s25  }
0xac: {  	s5 =	sshll.u32 s26, $0x1;
	_ =	strace $0x80000046;
	[dreg:$0x1] =	wrdreg $0xFFFFFFFF  }
0xad: {  	s28 =	simm.s32 $_size_execute0_lowered;
	s3 =	sadd.s32 s3, s5;
	[dreg:$0x0] =	wrdreg $0x0  }
0xae: {  	s5 =	sshll.u32 s28, $0x1;
	[dreg:$0x2] =	wrdreg s3  }
0xaf: {  	[dreg:$0x3] =	wrdreg s5  }
0xb0: {  	[dreg:$0x4] =	wrdreg $0xC0  }
0xb1: {  	_ =	task [dreg:s7], $0x5FFFF  }
0xb2: {  	[dreg:$0x1] =	wrdreg $0xFFFFFFFF  }
0xb3: {  	[dreg:$0x0] =	wrdreg $0x60  }
0xb4: {  	[dreg:$0x2] =	wrdreg s24  }
0xb5: {  	[dreg:$0x3] =	wrdreg s16  }
0xb6: {  	[dreg:$0x4] =	wrdreg $0x9  }
0xb7: {  	_ =	task.clear_ibuf [dreg:s7], $0x5FFFF;
	_ =	strace $0x90000046  }
0xb8: {  	s29 =	simm.s32 $0x9;
	_ =	strace $0x80000048  }
0xb9: {  	_ =	swait.ge [sflag:s29], $0x1  }
0xba: {  	[sflag:s29] =	ssyncadd.s32 $0xFFFFFFFF  }
0xbb: {  	_ =	strace $0x90000048  }
0xbc: {  	_ =	sfence  }
0xbd: {  	s30 =	sld [smem:$0x0];
	_ =	sdelay $0x2  }
0xbe: {  	s31 =	sshll.u32 s1, $0xD;
	s1 =	sshrl.u32 s1, $0x2  }
0xbf: {  	s3 =	sand.u32 $0x4000, s31;
	s1 =	sadd.s32 s1, s30  }
0xc0: {  	s0 =	sor.u32 s3, s0;
	s1 =	sshll.u32 s1, $0x11  }
0xc1: {  	s0 =	sor.u32 s1, s0  }
0xc2: {  	s0 =	sadd.s32 $0x8F2B, s0  }
0xc3: {  	[sflag:s0] =	ssyncadd.remote.s32 $0x1  }
0xc4: {  	_ =	sfence.sel $0xFFFF  }
0xc5: {  	[dreg:$0x0] =	wrdreg $0xFFFFFFFF;
	(pc) =	sbr.abs _section_cstart, $3  }
0xc6: {  	[dreg:$0x1] =	wrdreg $0xFFFFFFFF  }
0xc7: {  	_ =	task.clear_ibuf [dreg:s7], $0x2FFFF;
	_ =	strace $0x9FFFFFFF  }
0xc8: {  	(tm) =	ssettm $0x7FFFFFFF  }
0xc9: {  	_ =	shalt  }
tec
execute0_lowered:
.L_overlay_start_1:
0x0: {  	(tag) =	ssettag $0x1  }
0x1: {  	s0 =	rddreg [dreg:$0x0]  }
0x2: {  	s1 =	rddreg [dreg:$0x1]  }
0x3: {  	s3 =	srdreg.scid;
	s4 =	stileid.u32  }
0x4: {  	s2 =	simm.s32 $0x0;
	s25 =	simm.s32 $0x1;
	s28 =	simm.s32 $0xAC80  }
0x5: {  	s29 =	simm.s32 $0xBC80;
	s30 =	simm.s32 $0xCC80;
	s31 =	simm.s32 $0x0  }
0x6: {  	s3 =	sand.u32 $0x1, s3;
	s4 =	sshll.u32 s4, $0x1;
	[smem:$0x7FF] =	sst s2  }
0x7: {  	s5 =	sadd.s32 $0x1A00, s0;
	s20 =	sadd.s32 $0x2E00, s0;
	s4 =	sor.u32 s3, s4  }
0x8: {  	s22 =	sadd.s32 $0x16800, s0;
	s3 =	ssub.s32 $0x2, s3;
	s4 =	smul.u32 $0x4E20, s4  }
0x9: {  	s0 =	sadd.s32 $0x2A200, s0;
	_ =	strace $0x80000047;
	s26 =	sshrl.u32 s3, $0x1  }
0xa: {  	[dreg:$0x3] =	wrdreg s5;
	s3 =	ssub.s32 s3, s26;
	s19 =	sshrl.u32 s4, $0x3  }
0xb: {  	s26 =	simm.s32 $0x9C80;
	s24 =	smax.u32 s3, $0x1;
	s4 =	sadd.s32 s20, s19  }
0xc: {  	s5 =	sadd.s32 s1, s19;
	s6 =	sadd.s32 s22, s19;
	s11 =	sadd.s32 $0x1F4, s19  }
0xd: {  	s7 =	sadd.s32 s0, s19;
	s15 =	sadd.s32 $0x3E8, s19;
	s21 =	sadd.s32 $0x5DC, s19  }
0xe: {  	s23 =	sadd.s32 $0x7D0, s19;
	[dreg:$0x4] =	wrdreg s4;
	s8 =	sadd.s32 s20, s11  }
0xf: {  	s9 =	sadd.s32 s1, s11;
	s10 =	sadd.s32 s22, s11;
	s11 =	sadd.s32 s0, s11  }
0x10: {  	s12 =	sadd.s32 s20, s15;
	s13 =	sadd.s32 s1, s15;
	s14 =	sadd.s32 s22, s15  }
0x11: {  	s15 =	sadd.s32 s0, s15;
	s16 =	sadd.s32 s20, s21;
	s17 =	sadd.s32 s1, s21  }
0x12: {  	s18 =	sadd.s32 s22, s21;
	s19 =	sadd.s32 s0, s21;
	s20 =	sadd.s32 s20, s23  }
0x13: {  	s21 =	sadd.s32 s1, s23;
	s22 =	sadd.s32 s22, s23;
	s23 =	sadd.s32 s0, s23  }
.LBB2_1:
0x14: {  	s0 =	rddreg [dreg:$0x3]  }
0x15: {  	[tilespmem:s2], [sflag:$0x1] =	stream.linear.gather [hbm4b:s0+s2], $0x9C80, $0x38;
	[tilespmem:$0xDC80] =	vst v63  }
0x16: {  	_ =	swait.ge [sflag:s25], $0x9C80  }
0x17: {  	[sflag:s25] =	ssyncset.done $0x0  }
0x18: {  	s4 =	rddreg [dreg:$0x4];
	[sflag:s25] =	ssyncadd.s32 $0xFFFF6380  }
0x19: {  	[tilespmem:s26], [sflag:$0x1] =	stream.linear.gather [hbm4b:s4+s2], $0xFA0, $0x38;
	[tilespmem:$0xDC80] =	vst v63  }
0x1a: {  	_ =	swait.ge [sflag:s25], $0xFA0  }
0x1b: {  	[sflag:s25] =	ssyncset.done $0x0  }
0x1c: {  	[sflag:s25] =	ssyncadd.s32 $0xFFFFF060  }
0x1d: {  	[tilespmem:s28], [sflag:$0x1] =	stream.linear.gather [hbm4b:s5+s2], $0xFA0, $0x38;
	[tilespmem:$0xDC80] =	vst v63  }
0x1e: {  	_ =	swait.ge [sflag:s25], $0xFA0  }
0x1f: {  	[sflag:s25] =	ssyncset.done $0x0  }
0x20: {  	s1 =	simm.s32 $0x0;
	[sflag:s25] =	ssyncadd.s32 $0xFFFFF060  }
0x21: {  	v0 =	vld [tilespmem:s1+$0xAC80]  }
0x22: {  	v1 =	vld [tilespmem:s1+$0x9C80];
	_ =	sdelay $0x4  }
0x23: {  	v0 =	vshll.u32 v0, $0x2;
	v3 =	vshll.u32 v1, $0x2  }
0x24: {  	v4 =	vor.u32 $0x3, v0  }
0x25: {  	s0 =	simm.s32 $0x10;
	v5 =	vor.u32 $0x1, v3  }
0x26: {  	v2 =	vld [tilespmem:s0+$0xAC80];
	v6 =	vor.u32 $0x2, v0  }
0x27: {  	v1 =	vld [tilespmem:s0+$0x9C80]  }
0x28: {  	v0 =	vld.idx.msk [tilespmem:v3+s2+$0x0], $0xffff  }
0x29: {  	v3 =	vld.idx.msk [tilespmem:v4+s2+$0x0], $0xffff  }
0x2a: {  	v5 =	vld.idx.msk [tilespmem:v5+s2+$0x0], $0xffff  }
0x2b: {  	s3 =	simm.s32 $0x80;
	v4 =	vld.idx.msk [tilespmem:v6+s2+$0x0], $0xffff  }
.LBB2_2:
0x2c: {  	p0 =	sne.s32 s3, $0x3E40;
	v2 =	vshll.u32 v2, $0x2;
	s4 =	smov.u32 s3;
	s3 =	sadd.s32 $0x40, s3  }
0x2d: {  	v6 =	vor.u32 $0x2, v2;
	v7 =	vor.u32 $0x3, v2  }
0x2e: {  	v8 =	vshll.u32 v1, $0x2  }
0x2f: {  	v9 =	vor.u32 $0x1, v8;
	v1 =	vadd.f32 v3, v5  }
0x30: {  	s4 =	sshra.s32 s4, $0x2;
	v0 =	vadd.f32 v4, v0  }
0x31: {  	v2 =	vld [tilespmem:s4+$0xAC80];
	[tilespmem:s1+$0xCC80] =	vst v1  }
.Ltmp0:
0x32: {  	v1 =	vld [tilespmem:s4+$0x9C80];
	[tilespmem:s1+$0xBC80] =	vst v0;
	s1 =	smov.u32 s0;
	s0 =	smov.u32 s4;
	(pc) =	sbr.rel @p0 .LBB2_2-.Ltmp0, $4  }
0x33: {  	v0 =	vld.idx.msk [tilespmem:v8+s2+$0x0], $0xffff  }
0x34: {  	v3 =	vld.idx.msk [tilespmem:v7+s2+$0x0], $0xffff  }
0x35: {  	v5 =	vld.idx.msk [tilespmem:v9+s2+$0x0], $0xffff  }
0x36: {  	v4 =	vld.idx.msk [tilespmem:v6+s2+$0x0], $0xffff  }
0x37: {  	_ =	sdelay $0x1  }
0x38: {  	v2 =	vshll.u32 v2, $0x2;
	v1 =	vshll.u32 v1, $0x2  }
0x39: {  	v6 =	vor.u32 $0x3, v2;
	v3 =	vadd.f32 v3, v5  }
0x3a: {  	v2 =	vor.u32 $0x2, v2;
	v0 =	vadd.f32 v4, v0  }
0x3b: {  	v5 =	vor.u32 $0x1, v1;
	[tilespmem:s1+$0xCC80] =	vst v3  }
0x3c: {  	[tilespmem:s1+$0xBC80] =	vst v0  }
0x3d: {  	v0 =	vld.idx.msk [tilespmem:v1+s2+$0x0], $0xffff  }
0x3e: {  	v1 =	vld.idx.msk [tilespmem:v6+s2+$0x0], $0xffff  }
0x3f: {  	v2 =	vld.idx.msk [tilespmem:v2+s2+$0x0], $0xffff  }
0x40: {  	v3 =	vld.idx.msk [tilespmem:v5+s2+$0x0], $0xffff;
	_ =	sdelay $0x3  }
0x41: {  	v0 =	vadd.f32 v2, v0  }
0x42: {  	v1 =	vadd.f32 v1, v3  }
0x43: {  	[tilespmem:s0+$0xBC80] =	vst v0  }
0x44: {  	s4 =	simm.s32 $0x0;
	[tilespmem:s0+$0xCC80] =	vst v1  }
0x45: {  	[hbm4b:s6+s4] =	stream.linear.scatter [tilespmem:s29], [sflag:$0x1], $0xFA0, $0x38;
	[tilespmem:$0xDC80] =	vst v63  }
0x46: {  	_ =	swait.ge [sflag:s25], $0xFA0  }
0x47: {  	[sflag:s25] =	ssyncset.done $0x0  }
0x48: {  	[sflag:s25] =	ssyncadd.s32 $0xFFFFF060  }
0x49: {  	[hbm4b:s7+s4] =	stream.linear.scatter [tilespmem:s30], [sflag:$0x1], $0xFA0, $0x38;
	[tilespmem:$0xDC80] =	vst v63  }
0x4a: {  	_ =	swait.ge [sflag:s25], $0xFA0  }
0x4b: {  	[sflag:s25] =	ssyncset.done $0x0  }
0x4c: {  	[sflag:s25] =	ssyncadd.s32 $0xFFFFF060  }
0x4d: {  	[tilespmem:s26], [sflag:$0x1] =	stream.linear.gather [hbm4b:s8+s4], $0xFA0, $0x38;
	[tilespmem:$0xDC80] =	vst v63  }
0x4e: {  	_ =	swait.ge [sflag:s25], $0xFA0  }
0x4f: {  	[sflag:s25] =	ssyncset.done $0x0  }
0x50: {  	[sflag:s25] =	ssyncadd.s32 $0xFFFFF060  }
0x51: {  	[tilespmem:s28], [sflag:$0x1] =	stream.linear.gather [hbm4b:s9+s4], $0xFA0, $0x38;
	[tilespmem:$0xDC80] =	vst v63  }
0x52: {  	_ =	swait.ge [sflag:s25], $0xFA0  }
0x53: {  	[sflag:s25] =	ssyncset.done $0x0  }
0x54: {  	s1 =	simm.s32 $0x0;
	[sflag:s25] =	ssyncadd.s32 $0xFFFFF060  }
0x55: {  	v0 =	vld [tilespmem:s1+$0xAC80]  }
0x56: {  	v1 =	vld [tilespmem:s1+$0x9C80];
	_ =	sdelay $0x4  }
0x57: {  	v0 =	vshll.u32 v0, $0x2;
	v3 =	vshll.u32 v1, $0x2  }
0x58: {  	v4 =	vor.u32 $0x3, v0  }
0x59: {  	s0 =	simm.s32 $0x10;
	v5 =	vor.u32 $0x1, v3  }
0x5a: {  	v2 =	vld [tilespmem:s0+$0xAC80];
	v6 =	vor.u32 $0x2, v0  }
0x5b: {  	v1 =	vld [tilespmem:s0+$0x9C80]  }
0x5c: {  	v0 =	vld.idx.msk [tilespmem:v3+s2+$0x0], $0xffff  }
0x5d: {  	v3 =	vld.idx.msk [tilespmem:v4+s2+$0x0], $0xffff  }
0x5e: {  	v5 =	vld.idx.msk [tilespmem:v5+s2+$0x0], $0xffff  }
0x5f: {  	s3 =	simm.s32 $0x80;
	v4 =	vld.idx.msk [tilespmem:v6+s2+$0x0], $0xffff  }
.LBB2_4:
0x60: {  	p0 =	sne.s32 s3, $0x3E40;
	v2 =	vshll.u32 v2, $0x2;
	s4 =	smov.u32 s3;
	s3 =	sadd.s32 $0x40, s3  }
0x61: {  	v6 =	vor.u32 $0x2, v2;
	v7 =	vor.u32 $0x3, v2  }
0x62: {  	v8 =	vshll.u32 v1, $0x2  }
0x63: {  	v9 =	vor.u32 $0x1, v8;
	v1 =	vadd.f32 v3, v5  }
0x64: {  	s4 =	sshra.s32 s4, $0x2;
	v0 =	vadd.f32 v4, v0  }
0x65: {  	v2 =	vld [tilespmem:s4+$0xAC80];
	[tilespmem:s1+$0xCC80] =	vst v1  }
.Ltmp1:
0x66: {  	v1 =	vld [tilespmem:s4+$0x9C80];
	[tilespmem:s1+$0xBC80] =	vst v0;
	s1 =	smov.u32 s0;
	s0 =	smov.u32 s4;
	(pc) =	sbr.rel @p0 .LBB2_4-.Ltmp1, $4  }
0x67: {  	v0 =	vld.idx.msk [tilespmem:v8+s2+$0x0], $0xffff  }
0x68: {  	v3 =	vld.idx.msk [tilespmem:v7+s2+$0x0], $0xffff  }
0x69: {  	v5 =	vld.idx.msk [tilespmem:v9+s2+$0x0], $0xffff  }
0x6a: {  	v4 =	vld.idx.msk [tilespmem:v6+s2+$0x0], $0xffff  }
0x6b: {  	_ =	sdelay $0x1  }
0x6c: {  	v2 =	vshll.u32 v2, $0x2;
	v1 =	vshll.u32 v1, $0x2  }
0x6d: {  	v6 =	vor.u32 $0x3, v2;
	v3 =	vadd.f32 v3, v5  }
0x6e: {  	v2 =	vor.u32 $0x2, v2;
	v0 =	vadd.f32 v4, v0  }
0x6f: {  	v5 =	vor.u32 $0x1, v1;
	[tilespmem:s1+$0xCC80] =	vst v3  }
0x70: {  	[tilespmem:s1+$0xBC80] =	vst v0  }
0x71: {  	v0 =	vld.idx.msk [tilespmem:v1+s2+$0x0], $0xffff  }
0x72: {  	v1 =	vld.idx.msk [tilespmem:v6+s2+$0x0], $0xffff  }
0x73: {  	v2 =	vld.idx.msk [tilespmem:v2+s2+$0x0], $0xffff  }
0x74: {  	v3 =	vld.idx.msk [tilespmem:v5+s2+$0x0], $0xffff;
	_ =	sdelay $0x3  }
0x75: {  	v0 =	vadd.f32 v2, v0  }
0x76: {  	v1 =	vadd.f32 v1, v3  }
0x77: {  	[tilespmem:s0+$0xBC80] =	vst v0  }
0x78: {  	s4 =	simm.s32 $0x0;
	[tilespmem:s0+$0xCC80] =	vst v1  }
0x79: {  	[hbm4b:s10+s4] =	stream.linear.scatter [tilespmem:s29], [sflag:$0x1], $0xFA0, $0x38;
	[tilespmem:$0xDC80] =	vst v63  }
0x7a: {  	_ =	swait.ge [sflag:s25], $0xFA0  }
0x7b: {  	[sflag:s25] =	ssyncset.done $0x0  }
0x7c: {  	[sflag:s25] =	ssyncadd.s32 $0xFFFFF060  }
0x7d: {  	[hbm4b:s11+s4] =	stream.linear.scatter [tilespmem:s30], [sflag:$0x1], $0xFA0, $0x38;
	[tilespmem:$0xDC80] =	vst v63  }
0x7e: {  	_ =	swait.ge [sflag:s25], $0xFA0  }
0x7f: {  	[sflag:s25] =	ssyncset.done $0x0  }
0x80: {  	[sflag:s25] =	ssyncadd.s32 $0xFFFFF060  }
0x81: {  	[tilespmem:s26], [sflag:$0x1] =	stream.linear.gather [hbm4b:s12+s4], $0xFA0, $0x38;
	[tilespmem:$0xDC80] =	vst v63  }
0x82: {  	_ =	swait.ge [sflag:s25], $0xFA0  }
0x83: {  	[sflag:s25] =	ssyncset.done $0x0  }
0x84: {  	[sflag:s25] =	ssyncadd.s32 $0xFFFFF060  }
0x85: {  	[tilespmem:s28], [sflag:$0x1] =	stream.linear.gather [hbm4b:s13+s4], $0xFA0, $0x38;
	[tilespmem:$0xDC80] =	vst v63  }
0x86: {  	_ =	swait.ge [sflag:s25], $0xFA0  }
0x87: {  	[sflag:s25] =	ssyncset.done $0x0  }
0x88: {  	s1 =	simm.s32 $0x0;
	[sflag:s25] =	ssyncadd.s32 $0xFFFFF060  }
0x89: {  	v0 =	vld [tilespmem:s1+$0xAC80]  }
0x8a: {  	v1 =	vld [tilespmem:s1+$0x9C80];
	_ =	sdelay $0x4  }
0x8b: {  	v0 =	vshll.u32 v0, $0x2;
	v3 =	vshll.u32 v1, $0x2  }
0x8c: {  	v4 =	vor.u32 $0x3, v0  }
0x8d: {  	s0 =	simm.s32 $0x10;
	v5 =	vor.u32 $0x1, v3  }
0x8e: {  	v2 =	vld [tilespmem:s0+$0xAC80];
	v6 =	vor.u32 $0x2, v0  }
0x8f: {  	v1 =	vld [tilespmem:s0+$0x9C80]  }
0x90: {  	v0 =	vld.idx.msk [tilespmem:v3+s2+$0x0], $0xffff  }
0x91: {  	v3 =	vld.idx.msk [tilespmem:v4+s2+$0x0], $0xffff  }
0x92: {  	v5 =	vld.idx.msk [tilespmem:v5+s2+$0x0], $0xffff  }
0x93: {  	s3 =	simm.s32 $0x80;
	v4 =	vld.idx.msk [tilespmem:v6+s2+$0x0], $0xffff  }
.LBB2_6:
0x94: {  	p0 =	sne.s32 s3, $0x3E40;
	v2 =	vshll.u32 v2, $0x2;
	s4 =	smov.u32 s3;
	s3 =	sadd.s32 $0x40, s3  }
0x95: {  	v6 =	vor.u32 $0x2, v2;
	v7 =	vor.u32 $0x3, v2  }
0x96: {  	v8 =	vshll.u32 v1, $0x2  }
0x97: {  	v9 =	vor.u32 $0x1, v8;
	v1 =	vadd.f32 v3, v5  }
0x98: {  	s4 =	sshra.s32 s4, $0x2;
	v0 =	vadd.f32 v4, v0  }
0x99: {  	v2 =	vld [tilespmem:s4+$0xAC80];
	[tilespmem:s1+$0xCC80] =	vst v1  }
.Ltmp2:
0x9a: {  	v1 =	vld [tilespmem:s4+$0x9C80];
	[tilespmem:s1+$0xBC80] =	vst v0;
	s1 =	smov.u32 s0;
	s0 =	smov.u32 s4;
	(pc) =	sbr.rel @p0 .LBB2_6-.Ltmp2, $4  }
0x9b: {  	v0 =	vld.idx.msk [tilespmem:v8+s2+$0x0], $0xffff  }
0x9c: {  	v3 =	vld.idx.msk [tilespmem:v7+s2+$0x0], $0xffff  }
0x9d: {  	v5 =	vld.idx.msk [tilespmem:v9+s2+$0x0], $0xffff  }
0x9e: {  	v4 =	vld.idx.msk [tilespmem:v6+s2+$0x0], $0xffff  }
0x9f: {  	_ =	sdelay $0x1  }
0xa0: {  	v2 =	vshll.u32 v2, $0x2;
	v1 =	vshll.u32 v1, $0x2  }
0xa1: {  	v6 =	vor.u32 $0x3, v2;
	v3 =	vadd.f32 v3, v5  }
0xa2: {  	v2 =	vor.u32 $0x2, v2;
	v0 =	vadd.f32 v4, v0  }
0xa3: {  	v5 =	vor.u32 $0x1, v1;
	[tilespmem:s1+$0xCC80] =	vst v3  }
0xa4: {  	[tilespmem:s1+$0xBC80] =	vst v0  }
0xa5: {  	v0 =	vld.idx.msk [tilespmem:v1+s2+$0x0], $0xffff  }
0xa6: {  	v1 =	vld.idx.msk [tilespmem:v6+s2+$0x0], $0xffff  }
0xa7: {  	v2 =	vld.idx.msk [tilespmem:v2+s2+$0x0], $0xffff  }
0xa8: {  	v3 =	vld.idx.msk [tilespmem:v5+s2+$0x0], $0xffff;
	_ =	sdelay $0x3  }
0xa9: {  	v0 =	vadd.f32 v2, v0  }
0xaa: {  	v1 =	vadd.f32 v1, v3  }
0xab: {  	[tilespmem:s0+$0xBC80] =	vst v0  }
0xac: {  	s4 =	simm.s32 $0x0;
	[tilespmem:s0+$0xCC80] =	vst v1  }
0xad: {  	[hbm4b:s14+s4] =	stream.linear.scatter [tilespmem:s29], [sflag:$0x1], $0xFA0, $0x38;
	[tilespmem:$0xDC80] =	vst v63  }
0xae: {  	_ =	swait.ge [sflag:s25], $0xFA0  }
0xaf: {  	[sflag:s25] =	ssyncset.done $0x0  }
0xb0: {  	[sflag:s25] =	ssyncadd.s32 $0xFFFFF060  }
0xb1: {  	[hbm4b:s15+s4] =	stream.linear.scatter [tilespmem:s30], [sflag:$0x1], $0xFA0, $0x38;
	[tilespmem:$0xDC80] =	vst v63  }
0xb2: {  	_ =	swait.ge [sflag:s25], $0xFA0  }
0xb3: {  	[sflag:s25] =	ssyncset.done $0x0  }
0xb4: {  	[sflag:s25] =	ssyncadd.s32 $0xFFFFF060  }
0xb5: {  	[tilespmem:s26], [sflag:$0x1] =	stream.linear.gather [hbm4b:s16+s4], $0xFA0, $0x38;
	[tilespmem:$0xDC80] =	vst v63  }
0xb6: {  	_ =	swait.ge [sflag:s25], $0xFA0  }
0xb7: {  	[sflag:s25] =	ssyncset.done $0x0  }
0xb8: {  	[sflag:s25] =	ssyncadd.s32 $0xFFFFF060  }
0xb9: {  	[tilespmem:s28], [sflag:$0x1] =	stream.linear.gather [hbm4b:s17+s4], $0xFA0, $0x38;
	[tilespmem:$0xDC80] =	vst v63  }
0xba: {  	_ =	swait.ge [sflag:s25], $0xFA0  }
0xbb: {  	[sflag:s25] =	ssyncset.done $0x0  }
0xbc: {  	s1 =	simm.s32 $0x0;
	[sflag:s25] =	ssyncadd.s32 $0xFFFFF060  }
0xbd: {  	v0 =	vld [tilespmem:s1+$0xAC80]  }
0xbe: {  	v1 =	vld [tilespmem:s1+$0x9C80];
	_ =	sdelay $0x4  }
0xbf: {  	v0 =	vshll.u32 v0, $0x2;
	v3 =	vshll.u32 v1, $0x2  }
0xc0: {  	v4 =	vor.u32 $0x3, v0  }
0xc1: {  	s0 =	simm.s32 $0x10;
	v5 =	vor.u32 $0x1, v3  }
0xc2: {  	v2 =	vld [tilespmem:s0+$0xAC80];
	v6 =	vor.u32 $0x2, v0  }
0xc3: {  	v1 =	vld [tilespmem:s0+$0x9C80]  }
0xc4: {  	v0 =	vld.idx.msk [tilespmem:v3+s2+$0x0], $0xffff  }
0xc5: {  	v3 =	vld.idx.msk [tilespmem:v4+s2+$0x0], $0xffff  }
0xc6: {  	v5 =	vld.idx.msk [tilespmem:v5+s2+$0x0], $0xffff  }
0xc7: {  	s3 =	simm.s32 $0x80;
	v4 =	vld.idx.msk [tilespmem:v6+s2+$0x0], $0xffff  }
.LBB2_8:
0xc8: {  	p0 =	sne.s32 s3, $0x3E40;
	v2 =	vshll.u32 v2, $0x2;
	s4 =	smov.u32 s3;
	s3 =	sadd.s32 $0x40, s3  }
0xc9: {  	v6 =	vor.u32 $0x2, v2;
	v7 =	vor.u32 $0x3, v2  }
0xca: {  	v8 =	vshll.u32 v1, $0x2  }
0xcb: {  	v9 =	vor.u32 $0x1, v8;
	v1 =	vadd.f32 v3, v5  }
0xcc: {  	s4 =	sshra.s32 s4, $0x2;
	v0 =	vadd.f32 v4, v0  }
0xcd: {  	v2 =	vld [tilespmem:s4+$0xAC80];
	[tilespmem:s1+$0xCC80] =	vst v1  }
.Ltmp3:
0xce: {  	v1 =	vld [tilespmem:s4+$0x9C80];
	[tilespmem:s1+$0xBC80] =	vst v0;
	s1 =	smov.u32 s0;
	s0 =	smov.u32 s4;
	(pc) =	sbr.rel @p0 .LBB2_8-.Ltmp3, $4  }
0xcf: {  	v0 =	vld.idx.msk [tilespmem:v8+s2+$0x0], $0xffff  }
0xd0: {  	v3 =	vld.idx.msk [tilespmem:v7+s2+$0x0], $0xffff  }
0xd1: {  	v5 =	vld.idx.msk [tilespmem:v9+s2+$0x0], $0xffff  }
0xd2: {  	v4 =	vld.idx.msk [tilespmem:v6+s2+$0x0], $0xffff  }
0xd3: {  	_ =	sdelay $0x1  }
0xd4: {  	v2 =	vshll.u32 v2, $0x2;
	v1 =	vshll.u32 v1, $0x2  }
0xd5: {  	v6 =	vor.u32 $0x3, v2;
	v3 =	vadd.f32 v3, v5  }
0xd6: {  	v2 =	vor.u32 $0x2, v2;
	v0 =	vadd.f32 v4, v0  }
0xd7: {  	v5 =	vor.u32 $0x1, v1;
	[tilespmem:s1+$0xCC80] =	vst v3  }
0xd8: {  	[tilespmem:s1+$0xBC80] =	vst v0  }
0xd9: {  	v0 =	vld.idx.msk [tilespmem:v1+s2+$0x0], $0xffff  }
0xda: {  	v1 =	vld.idx.msk [tilespmem:v6+s2+$0x0], $0xffff  }
0xdb: {  	v2 =	vld.idx.msk [tilespmem:v2+s2+$0x0], $0xffff  }
0xdc: {  	v3 =	vld.idx.msk [tilespmem:v5+s2+$0x0], $0xffff;
	_ =	sdelay $0x3  }
0xdd: {  	v0 =	vadd.f32 v2, v0  }
0xde: {  	v1 =	vadd.f32 v1, v3  }
0xdf: {  	[tilespmem:s0+$0xBC80] =	vst v0  }
0xe0: {  	s4 =	simm.s32 $0x0;
	[tilespmem:s0+$0xCC80] =	vst v1  }
0xe1: {  	[hbm4b:s18+s4] =	stream.linear.scatter [tilespmem:s29], [sflag:$0x1], $0xFA0, $0x38;
	[tilespmem:$0xDC80] =	vst v63  }
0xe2: {  	_ =	swait.ge [sflag:s25], $0xFA0  }
0xe3: {  	[sflag:s25] =	ssyncset.done $0x0  }
0xe4: {  	[sflag:s25] =	ssyncadd.s32 $0xFFFFF060  }
0xe5: {  	[hbm4b:s19+s4] =	stream.linear.scatter [tilespmem:s30], [sflag:$0x1], $0xFA0, $0x38;
	[tilespmem:$0xDC80] =	vst v63  }
0xe6: {  	_ =	swait.ge [sflag:s25], $0xFA0  }
0xe7: {  	[sflag:s25] =	ssyncset.done $0x0  }
0xe8: {  	[sflag:s25] =	ssyncadd.s32 $0xFFFFF060  }
0xe9: {  	[tilespmem:s26], [sflag:$0x1] =	stream.linear.gather [hbm4b:s20+s4], $0xFA0, $0x38;
	[tilespmem:$0xDC80] =	vst v63  }
0xea: {  	_ =	swait.ge [sflag:s25], $0xFA0  }
0xeb: {  	[sflag:s25] =	ssyncset.done $0x0  }
0xec: {  	[sflag:s25] =	ssyncadd.s32 $0xFFFFF060  }
0xed: {  	[tilespmem:s28], [sflag:$0x1] =	stream.linear.gather [hbm4b:s21+s4], $0xFA0, $0x38;
	[tilespmem:$0xDC80] =	vst v63  }
0xee: {  	_ =	swait.ge [sflag:s25], $0xFA0  }
0xef: {  	[sflag:s25] =	ssyncset.done $0x0  }
0xf0: {  	s1 =	simm.s32 $0x0;
	[sflag:s25] =	ssyncadd.s32 $0xFFFFF060  }
0xf1: {  	v0 =	vld [tilespmem:s1+$0xAC80]  }
0xf2: {  	v1 =	vld [tilespmem:s1+$0x9C80];
	_ =	sdelay $0x4  }
0xf3: {  	v0 =	vshll.u32 v0, $0x2;
	v3 =	vshll.u32 v1, $0x2  }
0xf4: {  	v4 =	vor.u32 $0x3, v0  }
0xf5: {  	s0 =	simm.s32 $0x10;
	v5 =	vor.u32 $0x1, v3  }
0xf6: {  	v2 =	vld [tilespmem:s0+$0xAC80];
	v6 =	vor.u32 $0x2, v0  }
0xf7: {  	v1 =	vld [tilespmem:s0+$0x9C80]  }
0xf8: {  	v0 =	vld.idx.msk [tilespmem:v3+s2+$0x0], $0xffff  }
0xf9: {  	v3 =	vld.idx.msk [tilespmem:v4+s2+$0x0], $0xffff  }
0xfa: {  	v5 =	vld.idx.msk [tilespmem:v5+s2+$0x0], $0xffff  }
0xfb: {  	s3 =	simm.s32 $0x80;
	v4 =	vld.idx.msk [tilespmem:v6+s2+$0x0], $0xffff  }
.LBB2_10:
0xfc: {  	p0 =	sne.s32 s3, $0x3E40;
	v2 =	vshll.u32 v2, $0x2;
	s4 =	smov.u32 s3;
	s3 =	sadd.s32 $0x40, s3  }
0xfd: {  	v6 =	vor.u32 $0x2, v2;
	v7 =	vor.u32 $0x3, v2  }
0xfe: {  	v8 =	vshll.u32 v1, $0x2  }
0xff: {  	v9 =	vor.u32 $0x1, v8;
	v1 =	vadd.f32 v3, v5  }
0x100: {  	s4 =	sshra.s32 s4, $0x2;
	v0 =	vadd.f32 v4, v0  }
0x101: {  	v2 =	vld [tilespmem:s4+$0xAC80];
	[tilespmem:s1+$0xCC80] =	vst v1  }
.Ltmp4:
0x102: {  	v1 =	vld [tilespmem:s4+$0x9C80];
	[tilespmem:s1+$0xBC80] =	vst v0;
	s1 =	smov.u32 s0;
	s0 =	smov.u32 s4;
	(pc) =	sbr.rel @p0 .LBB2_10-.Ltmp4, $4  }
0x103: {  	v0 =	vld.idx.msk [tilespmem:v8+s2+$0x0], $0xffff  }
0x104: {  	v3 =	vld.idx.msk [tilespmem:v7+s2+$0x0], $0xffff  }
0x105: {  	v5 =	vld.idx.msk [tilespmem:v9+s2+$0x0], $0xffff  }
0x106: {  	v4 =	vld.idx.msk [tilespmem:v6+s2+$0x0], $0xffff  }
0x107: {  	_ =	sdelay $0x1  }
0x108: {  	v2 =	vshll.u32 v2, $0x2;
	v1 =	vshll.u32 v1, $0x2  }
0x109: {  	v6 =	vor.u32 $0x3, v2;
	v3 =	vadd.f32 v3, v5  }
0x10a: {  	v62 =	vor.u32 $0x1, v1;
	v0 =	vadd.f32 v4, v0  }
0x10b: {  	v2 =	vor.u32 $0x2, v2;
	[tilespmem:s1+$0xCC80] =	vst v3  }
0x10c: {  	[tilespmem:s1+$0xBC80] =	vst v0  }
0x10d: {  	v0 =	vld.idx.msk [tilespmem:v1+s2+$0x0], $0xffff  }
0x10e: {  	v63 =	vld.idx.msk [tilespmem:v6+s2+$0x0], $0xffff  }
0x10f: {  	v3 =	vld.idx.msk [tilespmem:v62+s2+$0x0], $0xffff  }
0x110: {  	v2 =	vld.idx.msk [tilespmem:v2+s2+$0x0], $0xffff;
	_ =	sdelay $0x3  }
0x111: {  	v1 =	vadd.f32 v63, v3  }
0x112: {  	v0 =	vadd.f32 v2, v0  }
0x113: {  	[tilespmem:s0+$0xCC80] =	vst v1  }
0x114: {  	[tilespmem:s0+$0xBC80] =	vst v0  }
0x115: {  	[hbm4b:s22+s2] =	stream.linear.scatter [tilespmem:s29], [sflag:$0x1], $0xFA0, $0x38;
	[tilespmem:$0xDC80] =	vst v63  }
0x116: {  	s31 =	sadd.s32 $0x1, s31;
	_ =	swait.ge [sflag:s25], $0xFA0  }
0x117: {  	p0 =	sne.s32 s31, s24;
	[sflag:s25] =	ssyncset.done $0x0  }
.Ltmp5:
0x118: {  	[sflag:s25] =	ssyncadd.s32 $0xFFFFF060;
	(pc) =	sbr.rel @p0 .LBB2_1-.Ltmp5, $4  }
0x119: {  	[hbm4b:s23+s2] =	stream.linear.scatter [tilespmem:s30], [sflag:$0x1], $0xFA0, $0x38;
	[tilespmem:$0xDC80] =	vst v63  }
0x11a: {  	_ =	swait.ge [sflag:s25], $0xFA0  }
0x11b: {  	[sflag:s25] =	ssyncset.done $0x0  }
0x11c: {  	[sflag:s25] =	ssyncadd.s32 $0xFFFFF060  }
0x11d: {  	_ =	sfence.sel $0x180000  }
0x11e: {  	[bflag:$0x0] =	sbarrier.arrive $0xFFFF  }
0x11f: {  	_ =	strace $0x90000047  }
0x120: {  	s0 =	stileid.u32;
	[bflag:$0x2] =	sbarrier.arrive $0xFFFF  }
0x121: {  	p0 =	sne.s32 s0, $0x0;
	s0 =	rddreg [dreg:$0x2]  }
0x122: {  	s0 =	sadd.s32 @!p0 $0x100000, s0  }
0x123: {  	[sflag:s0] =	ssyncadd.tile.s32 @!p0 $0x1;
	_ =	shalt  }
.Lfunc_end2:
_tile_overlayer_lowered:
.L_overlay_start_2:
0x124: {  	(tag) =	ssettag $0x2  }
0x125: {  	s0 =	rddreg [dreg:$0x0];
	s2 =	stileid.u32  }
0x126: {  	s1 =	rddreg [dreg:$0x1];
	p0 =	sne.s32 s2, $0x0  }
0x127: {  	s3 =	rddreg [dreg:$0x2];
	[bflag:$0x3] =	sbarrier.arrive $0xFFFF;
	s2 =	simm.s32 @!p0 $0x1C01  }
0x128: {  	[timem:s3], [sflag:s2] =	dma.local @!p0 [hbm:s0], s1  }
0x129: {  	s0 =	simm.s32 @!p0 $0x1  }
0x12a: {  	_ =	swait.ge @!p0 [sflag:s0], s1  }
0x12b: {  	s1 =	ssub.s32 @!p0 $0x0, s1;
	[sflag:s0] =	ssyncset.done @!p0 $0x0  }
0x12c: {  	[sflag:s0] =	ssyncadd.s32 @!p0 s1  }
0x12d: {  	[bflag:$0x3] =	sbarrier.arrive $0xFFFF  }
0x12e: {  	_ =	shalt  }

</sc_bundles>
